<compile_context>
chip_gen: v7x
topology: tpu7x:2x2x1
jax: 0.10.2.dev20260603
libtpu: 0.0.44.dev20260713+nightly
codegen_flags: <defaults>
</compile_context>

<pallas_src>
import functools

import jax
import jax.numpy as jnp
from jax import lax
from jax.experimental import pallas as pl
from jax.experimental.pallas import tpu as pltpu
from jax.experimental.pallas import tpu_sc as plsc

NUM_CATS = 100000
DIM = 128
ROWS = 4096
SEQ = 200
B = ROWS * SEQ

_INFO = plsc.get_sparse_core_info()
NC = _INFO.num_cores
NS = _INFO.num_subcores
NW = NC * NS
GROUP = 64
B_PER_W = B // NW
G = B_PER_W // GROUP
G2 = B_PER_W // 128
NBUF = 10
LOOKAHEAD = 6
NITER = G // NBUF
assert G % NBUF == 0 and LOOKAHEAD < NBUF and NBUF % 2 == 0


def _idx_slice(idx_v, jj, b):
    row = jj * (NBUF // 2) + b // 2
    return idx_v.at[row, pl.ds((b % 2) * GROUP, GROUP)]


@functools.partial(
    pl.kernel,
    mesh=plsc.VectorSubcoreMesh(core_axis_name="c", subcore_axis_name="s"),
    out_type=jax.ShapeDtypeStruct((B, DIM), jnp.float32),
    scratch_types=(
        [pltpu.VMEM((G2, 128), jnp.int32)]
        + [pltpu.VMEM((GROUP, DIM), jnp.float32) for _ in range(NBUF)]
        + [pltpu.SemaphoreType.DMA for _ in range(2 * NBUF)]
    ),
)
def _embed_gather(table_hbm, idx_hbm, out_hbm, idx_v, *rest):
    bufs = rest[:NBUF]
    gsems = rest[NBUF:2 * NBUF]
    osems = rest[2 * NBUF:]
    wid = lax.axis_index("s") * NC + lax.axis_index("c")
    base = wid * B_PER_W
    pltpu.sync_copy(idx_hbm.at[wid], idx_v)

    for b in range(LOOKAHEAD):
        pltpu.async_copy(table_hbm.at[_idx_slice(idx_v, 0, b)], bufs[b],
                         gsems[b])

    def step(jj, carry):
        for b in range(NBUF):
            j = jj * NBUF + b
            bn = (b + LOOKAHEAD) % NBUF
            pltpu.make_async_copy(
                table_hbm.at[_idx_slice(idx_v, 0, 0)], bufs[b], gsems[b]
            ).wait()
            pltpu.async_copy(
                bufs[b], out_hbm.at[pl.ds(base + j * GROUP, GROUP)], osems[b]
            )

            def drain_nbr():
                pltpu.make_async_copy(
                    bufs[bn], out_hbm.at[pl.ds(0, GROUP)], osems[bn]
                ).wait()

            def start_next():
                bl = (b + LOOKAHEAD) % NBUF
                jn = jj + (b + LOOKAHEAD) // NBUF
                pltpu.async_copy(
                    table_hbm.at[_idx_slice(idx_v, jn, bl)], bufs[bn],
                    gsems[bn]
                )

            if b < NBUF - LOOKAHEAD:
                pl.when(jj >= 1)(drain_nbr)
                start_next()
            else:
                drain_nbr()
                pl.when(jj < NITER - 1)(start_next)
        return carry

    lax.fori_loop(0, NITER, step, 0)
    for j in range(G - (NBUF - LOOKAHEAD), G):
        pltpu.make_async_copy(
            bufs[j % NBUF], out_hbm.at[pl.ds(0, GROUP)], osems[j % NBUF]
        ).wait()


def kernel(cat_ids, table):
    idx3 = cat_ids.reshape(NW, G2, 128)
    out = _embed_gather(table, idx3)
    return out.reshape(ROWS, SEQ, DIM)

# --- scband reference (transcript-rebuilt; emitter-appended) ---
"""Pipeline reference for scband-cat-embedding-64020782514421 (READ-ONLY COPY).

The authoritative reference and input builder live on the scoring server;
editing this copy changes nothing except your own understanding.
"""

import jax, jax.numpy as jnp
import numpy as np

NUM_CATS = 100000
DIM = 128
PADDING_IDX = 0


def setup_inputs(seed: int = 0) -> dict:
    key = jax.random.key(seed)
    k_idx, k_tbl = jax.random.split(key)
    cat_ids = jax.random.randint(k_idx, (4096, 200), 0, NUM_CATS, dtype=jnp.int32)
    # nn.Embedding default init ~ N(0, 1); padding_idx row is zeroed at init.
    table = jax.random.normal(k_tbl, (NUM_CATS, DIM), dtype=jnp.float32)
    table = table.at[PADDING_IDX].set(0.0)
    return {"cat_ids": cat_ids, "table": table}


def reference(cat_ids, table):
    # padding_idx semantics: the padding row is held at zero and contributes
    # no gradient; enforce by rebuilding the row inside the computation.
    tbl = table.at[PADDING_IDX].set(jnp.zeros((table.shape[1],), dtype=table.dtype))
    return jnp.take(tbl, cat_ids, axis=0)

if __name__ == "__main__":
    import jax
    _d = setup_inputs()
    print(jax.jit(kernel)(*tuple(_d.values())))

</pallas_src>

<mosaic_0001>
#map = affine_map<(d0, d1) -> (0, 0)>
#map1 = affine_map<(d0, d1) -> (0, 0, 0)>
module attributes {stable_mosaic.version = 14 : i64} {
  func.func @_embed_gather(%arg0: i32, %arg1: i32, %arg2: memref<100000x128xf32, #tpu.memory_space<hbm>>, %arg3: memref<32x200x128xi32, #tpu.memory_space<hbm>>, %arg4: memref<819200x128xf32, #tpu.memory_space<hbm>>, %arg5: memref<200x128xi32, #tpu.memory_space<vmem>>, %arg6: memref<64x128xf32, #tpu.memory_space<vmem>>, %arg7: memref<64x128xf32, #tpu.memory_space<vmem>>, %arg8: memref<64x128xf32, #tpu.memory_space<vmem>>, %arg9: memref<64x128xf32, #tpu.memory_space<vmem>>, %arg10: memref<64x128xf32, #tpu.memory_space<vmem>>, %arg11: memref<64x128xf32, #tpu.memory_space<vmem>>, %arg12: memref<64x128xf32, #tpu.memory_space<vmem>>, %arg13: memref<64x128xf32, #tpu.memory_space<vmem>>, %arg14: memref<64x128xf32, #tpu.memory_space<vmem>>, %arg15: memref<64x128xf32, #tpu.memory_space<vmem>>, %arg16: memref<!tpu.dma_semaphore, #tpu.memory_space<semaphore_mem>>, %arg17: memref<!tpu.dma_semaphore, #tpu.memory_space<semaphore_mem>>, %arg18: memref<!tpu.dma_semaphore, #tpu.memory_space<semaphore_mem>>, %arg19: memref<!tpu.dma_semaphore, #tpu.memory_space<semaphore_mem>>, %arg20: memref<!tpu.dma_semaphore, #tpu.memory_space<semaphore_mem>>, %arg21: memref<!tpu.dma_semaphore, #tpu.memory_space<semaphore_mem>>, %arg22: memref<!tpu.dma_semaphore, #tpu.memory_space<semaphore_mem>>, %arg23: memref<!tpu.dma_semaphore, #tpu.memory_space<semaphore_mem>>, %arg24: memref<!tpu.dma_semaphore, #tpu.memory_space<semaphore_mem>>, %arg25: memref<!tpu.dma_semaphore, #tpu.memory_space<semaphore_mem>>, %arg26: memref<!tpu.dma_semaphore, #tpu.memory_space<semaphore_mem>>, %arg27: memref<!tpu.dma_semaphore, #tpu.memory_space<semaphore_mem>>, %arg28: memref<!tpu.dma_semaphore, #tpu.memory_space<semaphore_mem>>, %arg29: memref<!tpu.dma_semaphore, #tpu.memory_space<semaphore_mem>>, %arg30: memref<!tpu.dma_semaphore, #tpu.memory_space<semaphore_mem>>, %arg31: memref<!tpu.dma_semaphore, #tpu.memory_space<semaphore_mem>>, %arg32: memref<!tpu.dma_semaphore, #tpu.memory_space<semaphore_mem>>, %arg33: memref<!tpu.dma_semaphore, #tpu.memory_space<semaphore_mem>>, %arg34: memref<!tpu.dma_semaphore, #tpu.memory_space<semaphore_mem>>, %arg35: memref<!tpu.dma_semaphore, #tpu.memory_space<semaphore_mem>>) attributes {dimension_semantics = [#tpu.dimension_semantics<core_parallel>, #tpu.dimension_semantics<subcore_parallel>], iteration_bounds = array<i64: 2, 16>, scalar_prefetch = 0 : i64, scratch_operands = 31 : i64, tpu.core_type = #tpu.core_type<sc_vector_subcore>, window_params = [{transform_indices = #map}, {transform_indices = #map1}, {transform_indices = #map}]} {
    %mul3A = arith.constant 2 : i32
    %mul3A_0 = arith.muli %arg1, %mul3A : i32
    %add3A = arith.addi %mul3A_0, %arg0 : i32
    %mul3A_1 = arith.constant 25600 : i32
    %mul3A_2 = arith.muli %add3A, %mul3A_1 : i32
    "tpu.region"() ({
      %run_scoped3A = tpu.sem_alloc : memref<!tpu.dma_semaphore, #tpu.memory_space<semaphore_mem>>
      %dma_start3A_72 = arith.constant 0 : i32
      %dma_start3A_73 = arith.constant 0 : i32
      %dma_start3A_74 = tpu.memref_slice %arg3[%add3A, %dma_start3A_72, %dma_start3A_73] : memref<32x200x128xi32, #tpu.memory_space<hbm>> -> memref<1x200x128xi32, #tpu.memory_space<hbm>>
      %dma_start3A_75 = tpu.memref_squeeze %dma_start3A_74 : memref<1x200x128xi32, #tpu.memory_space<hbm>> -> memref<200x128xi32, #tpu.memory_space<hbm>>
      %dma_start3A_76 = arith.constant 0 : i32
      %dma_start3A_77 = arith.constant 0 : i32
      %dma_start3A_78 = tpu.memref_slice %arg3[%add3A, %dma_start3A_76, %dma_start3A_77] : memref<32x200x128xi32, #tpu.memory_space<hbm>> -> memref<1x200x128xi32, #tpu.memory_space<hbm>>
      %dma_start3A_79 = tpu.memref_squeeze %dma_start3A_78 : memref<1x200x128xi32, #tpu.memory_space<hbm>> -> memref<200x128xi32, #tpu.memory_space<hbm>>
      tpu.enqueue_dma source(%dma_start3A_79 : memref<200x128xi32, #tpu.memory_space<hbm>>) target(%arg5 : memref<200x128xi32, #tpu.memory_space<vmem>>) target_semaphore(%run_scoped3A : memref<!tpu.dma_semaphore, #tpu.memory_space<semaphore_mem>>)
      %dma_wait3A_80 = arith.constant 0 : i32
      %dma_wait3A_81 = arith.constant 0 : i32
      %dma_wait3A_82 = tpu.memref_slice %arg3[%add3A, %dma_wait3A_80, %dma_wait3A_81] : memref<32x200x128xi32, #tpu.memory_space<hbm>> -> memref<1x200x128xi32, #tpu.memory_space<hbm>>
      %dma_wait3A_83 = tpu.memref_squeeze %dma_wait3A_82 : memref<1x200x128xi32, #tpu.memory_space<hbm>> -> memref<200x128xi32, #tpu.memory_space<hbm>>
      %dma_wait3A_84 = arith.constant 0 : i32
      %dma_wait3A_85 = arith.constant 0 : i32
      %dma_wait3A_86 = tpu.memref_slice %arg3[%add3A, %dma_wait3A_84, %dma_wait3A_85] : memref<32x200x128xi32, #tpu.memory_space<hbm>> -> memref<1x200x128xi32, #tpu.memory_space<hbm>>
      %dma_wait3A_87 = tpu.memref_squeeze %dma_wait3A_86 : memref<1x200x128xi32, #tpu.memory_space<hbm>> -> memref<200x128xi32, #tpu.memory_space<hbm>>
      tpu.wait_dma2 semaphore(%run_scoped3A : memref<!tpu.dma_semaphore, #tpu.memory_space<semaphore_mem>>) src(%dma_wait3A_87 : memref<200x128xi32, #tpu.memory_space<hbm>>) dst(%arg5 : memref<200x128xi32, #tpu.memory_space<vmem>>)
      tpu.yield
    }) : () -> ()
    %dma_start3A = arith.constant 0 : i32
    %dma_start3A_3 = arith.constant 0 : i32
    %dma_start3A_4 = tpu.memref_slice %arg5[%dma_start3A, %dma_start3A_3] : memref<200x128xi32, #tpu.memory_space<vmem>> -> memref<1x64xi32, #tpu.memory_space<vmem>>
    %dma_start3A_5 = tpu.memref_squeeze %dma_start3A_4 : memref<1x64xi32, #tpu.memory_space<vmem>> -> memref<64xi32, #tpu.memory_space<vmem>>
    %dma_start3A_6 = arith.constant 0 : i32
    %dma_start3A_7 = arith.constant 0 : i32
    %dma_start3A_8 = tpu.memref_slice %arg2[%dma_start3A_6, %dma_start3A_7] : memref<100000x128xf32, #tpu.memory_space<hbm>> -> memref<100000x128xf32, #tpu.memory_space<hbm>>
    tpu.enqueue_indirect_dma source(%dma_start3A_8 : memref<100000x128xf32, #tpu.memory_space<hbm>>) target(%arg6 : memref<64x128xf32, #tpu.memory_space<vmem>>) offsets(%dma_start3A_5 : memref<64xi32, #tpu.memory_space<vmem>>) semaphore(%arg16 : memref<!tpu.dma_semaphore, #tpu.memory_space<semaphore_mem>>)
    %dma_start3A_9 = arith.constant 0 : i32
    %dma_start3A_10 = arith.constant 64 : i32
    %dma_start3A_11 = tpu.memref_slice %arg5[%dma_start3A_9, %dma_start3A_10] : memref<200x128xi32, #tpu.memory_space<vmem>> -> memref<1x64xi32, #tpu.memory_space<vmem>>
    %dma_start3A_12 = tpu.memref_squeeze %dma_start3A_11 : memref<1x64xi32, #tpu.memory_space<vmem>> -> memref<64xi32, #tpu.memory_space<vmem>>
    %dma_start3A_13 = arith.constant 0 : i32
    %dma_start3A_14 = arith.constant 0 : i32
    %dma_start3A_15 = tpu.memref_slice %arg2[%dma_start3A_13, %dma_start3A_14] : memref<100000x128xf32, #tpu.memory_space<hbm>> -> memref<100000x128xf32, #tpu.memory_space<hbm>>
    tpu.enqueue_indirect_dma source(%dma_start3A_15 : memref<100000x128xf32, #tpu.memory_space<hbm>>) target(%arg7 : memref<64x128xf32, #tpu.memory_space<vmem>>) offsets(%dma_start3A_12 : memref<64xi32, #tpu.memory_space<vmem>>) semaphore(%arg17 : memref<!tpu.dma_semaphore, #tpu.memory_space<semaphore_mem>>)
    %dma_start3A_16 = arith.constant 1 : i32
    %dma_start3A_17 = arith.constant 0 : i32
    %dma_start3A_18 = tpu.memref_slice %arg5[%dma_start3A_16, %dma_start3A_17] : memref<200x128xi32, #tpu.memory_space<vmem>> -> memref<1x64xi32, #tpu.memory_space<vmem>>
    %dma_start3A_19 = tpu.memref_squeeze %dma_start3A_18 : memref<1x64xi32, #tpu.memory_space<vmem>> -> memref<64xi32, #tpu.memory_space<vmem>>
    %dma_start3A_20 = arith.constant 0 : i32
    %dma_start3A_21 = arith.constant 0 : i32
    %dma_start3A_22 = tpu.memref_slice %arg2[%dma_start3A_20, %dma_start3A_21] : memref<100000x128xf32, #tpu.memory_space<hbm>> -> memref<100000x128xf32, #tpu.memory_space<hbm>>
    tpu.enqueue_indirect_dma source(%dma_start3A_22 : memref<100000x128xf32, #tpu.memory_space<hbm>>) target(%arg8 : memref<64x128xf32, #tpu.memory_space<vmem>>) offsets(%dma_start3A_19 : memref<64xi32, #tpu.memory_space<vmem>>) semaphore(%arg18 : memref<!tpu.dma_semaphore, #tpu.memory_space<semaphore_mem>>)
    %dma_start3A_23 = arith.constant 1 : i32
    %dma_start3A_24 = arith.constant 64 : i32
    %dma_start3A_25 = tpu.memref_slice %arg5[%dma_start3A_23, %dma_start3A_24] : memref<200x128xi32, #tpu.memory_space<vmem>> -> memref<1x64xi32, #tpu.memory_space<vmem>>
    %dma_start3A_26 = tpu.memref_squeeze %dma_start3A_25 : memref<1x64xi32, #tpu.memory_space<vmem>> -> memref<64xi32, #tpu.memory_space<vmem>>
    %dma_start3A_27 = arith.constant 0 : i32
    %dma_start3A_28 = arith.constant 0 : i32
    %dma_start3A_29 = tpu.memref_slice %arg2[%dma_start3A_27, %dma_start3A_28] : memref<100000x128xf32, #tpu.memory_space<hbm>> -> memref<100000x128xf32, #tpu.memory_space<hbm>>
    tpu.enqueue_indirect_dma source(%dma_start3A_29 : memref<100000x128xf32, #tpu.memory_space<hbm>>) target(%arg9 : memref<64x128xf32, #tpu.memory_space<vmem>>) offsets(%dma_start3A_26 : memref<64xi32, #tpu.memory_space<vmem>>) semaphore(%arg19 : memref<!tpu.dma_semaphore, #tpu.memory_space<semaphore_mem>>)
    %dma_start3A_30 = arith.constant 2 : i32
    %dma_start3A_31 = arith.constant 0 : i32
    %dma_start3A_32 = tpu.memref_slice %arg5[%dma_start3A_30, %dma_start3A_31] : memref<200x128xi32, #tpu.memory_space<vmem>> -> memref<1x64xi32, #tpu.memory_space<vmem>>
    %dma_start3A_33 = tpu.memref_squeeze %dma_start3A_32 : memref<1x64xi32, #tpu.memory_space<vmem>> -> memref<64xi32, #tpu.memory_space<vmem>>
    %dma_start3A_34 = arith.constant 0 : i32
    %dma_start3A_35 = arith.constant 0 : i32
    %dma_start3A_36 = tpu.memref_slice %arg2[%dma_start3A_34, %dma_start3A_35] : memref<100000x128xf32, #tpu.memory_space<hbm>> -> memref<100000x128xf32, #tpu.memory_space<hbm>>
    tpu.enqueue_indirect_dma source(%dma_start3A_36 : memref<100000x128xf32, #tpu.memory_space<hbm>>) target(%arg10 : memref<64x128xf32, #tpu.memory_space<vmem>>) offsets(%dma_start3A_33 : memref<64xi32, #tpu.memory_space<vmem>>) semaphore(%arg20 : memref<!tpu.dma_semaphore, #tpu.memory_space<semaphore_mem>>)
    %dma_start3A_37 = arith.constant 2 : i32
    %dma_start3A_38 = arith.constant 64 : i32
    %dma_start3A_39 = tpu.memref_slice %arg5[%dma_start3A_37, %dma_start3A_38] : memref<200x128xi32, #tpu.memory_space<vmem>> -> memref<1x64xi32, #tpu.memory_space<vmem>>
    %dma_start3A_40 = tpu.memref_squeeze %dma_start3A_39 : memref<1x64xi32, #tpu.memory_space<vmem>> -> memref<64xi32, #tpu.memory_space<vmem>>
    %dma_start3A_41 = arith.constant 0 : i32
    %dma_start3A_42 = arith.constant 0 : i32
    %dma_start3A_43 = tpu.memref_slice %arg2[%dma_start3A_41, %dma_start3A_42] : memref<100000x128xf32, #tpu.memory_space<hbm>> -> memref<100000x128xf32, #tpu.memory_space<hbm>>
    tpu.enqueue_indirect_dma source(%dma_start3A_43 : memref<100000x128xf32, #tpu.memory_space<hbm>>) target(%arg11 : memref<64x128xf32, #tpu.memory_space<vmem>>) offsets(%dma_start3A_40 : memref<64xi32, #tpu.memory_space<vmem>>) semaphore(%arg21 : memref<!tpu.dma_semaphore, #tpu.memory_space<semaphore_mem>>)
    %scan3A = arith.constant 0 : i32
    %scan3A_44 = arith.constant 0 : i32
    %scan3A_45 = arith.constant 40 : i32
    %scan3A_46 = arith.addi %scan3A_44, %scan3A_45 : i32
    %scan3A_47 = arith.constant 1 : i32
    scf.for %scan3A_72 = %scan3A_44 to %scan3A_46 step %scan3A_47  : i32 {
      %mul3A_73 = arith.constant 10 : i32
      %mul3A_74 = arith.muli %scan3A_72, %mul3A_73 : i32
      %add3A_75 = arith.constant 0 : i32
      %add3A_76 = arith.addi %mul3A_74, %add3A_75 : i32
      %dma_wait3A_77 = arith.constant 0 : i32
      %dma_wait3A_78 = arith.constant 0 : i32
      %dma_wait3A_79 = tpu.memref_slice %arg5[%dma_wait3A_77, %dma_wait3A_78] : memref<200x128xi32, #tpu.memory_space<vmem>> -> memref<1x64xi32, #tpu.memory_space<vmem>>
      %dma_wait3A_80 = tpu.memref_squeeze %dma_wait3A_79 : memref<1x64xi32, #tpu.memory_space<vmem>> -> memref<64xi32, #tpu.memory_space<vmem>>
      %dma_wait3A_81 = arith.constant 0 : i32
      %dma_wait3A_82 = arith.constant 0 : i32
      %dma_wait3A_83 = tpu.memref_slice %arg2[%dma_wait3A_81, %dma_wait3A_82] : memref<100000x128xf32, #tpu.memory_space<hbm>> -> memref<100000x128xf32, #tpu.memory_space<hbm>>
      tpu.wait_indirect_dma semaphore(%arg16 : memref<!tpu.dma_semaphore, #tpu.memory_space<semaphore_mem>>) src(%dma_wait3A_83 : memref<100000x128xf32, #tpu.memory_space<hbm>>) dst(%arg6 : memref<64x128xf32, #tpu.memory_space<vmem>>)
      %mul3A_84 = arith.constant 64 : i32
      %mul3A_85 = arith.muli %add3A_76, %mul3A_84 : i32
      %add3A_86 = arith.addi %mul3A_2, %mul3A_85 : i32
      %dma_start3A_87 = arith.constant 0 : i32
      %dma_start3A_88 = tpu.memref_slice %arg4[%add3A_86, %dma_start3A_87] : memref<819200x128xf32, #tpu.memory_space<hbm>> -> memref<64x128xf32, #tpu.memory_space<hbm>>
      %dma_start3A_89 = arith.constant 0 : i32
      %dma_start3A_90 = tpu.memref_slice %arg4[%add3A_86, %dma_start3A_89] : memref<819200x128xf32, #tpu.memory_space<hbm>> -> memref<64x128xf32, #tpu.memory_space<hbm>>
      tpu.enqueue_dma source(%arg6 : memref<64x128xf32, #tpu.memory_space<vmem>>) target(%dma_start3A_90 : memref<64x128xf32, #tpu.memory_space<hbm>>) target_semaphore(%arg26 : memref<!tpu.dma_semaphore, #tpu.memory_space<semaphore_mem>>)
      %ge3A = arith.constant 1 : i32
      %ge3A_91 = arith.cmpi sge, %scan3A_72, %ge3A : i32
      %convert_element_type3A = arith.extui %ge3A_91 : i1 to i32
      %cond3A = arith.constant 0 : i32
      %cond3A_92 = arith.cmpi ne, %convert_element_type3A, %cond3A : i32
      scf.if %cond3A_92 {
        %dma_wait3A_383 = arith.constant 0 : i32
        %dma_wait3A_384 = arith.constant 0 : i32
        %dma_wait3A_385 = tpu.memref_slice %arg4[%dma_wait3A_383, %dma_wait3A_384] : memref<819200x128xf32, #tpu.memory_space<hbm>> -> memref<64x128xf32, #tpu.memory_space<hbm>>
        %dma_wait3A_386 = arith.constant 0 : i32
        %dma_wait3A_387 = arith.constant 0 : i32
        %dma_wait3A_388 = tpu.memref_slice %arg4[%dma_wait3A_386, %dma_wait3A_387] : memref<819200x128xf32, #tpu.memory_space<hbm>> -> memref<64x128xf32, #tpu.memory_space<hbm>>
        tpu.wait_dma2 semaphore(%arg32 : memref<!tpu.dma_semaphore, #tpu.memory_space<semaphore_mem>>) src(%arg12 : memref<64x128xf32, #tpu.memory_space<vmem>>) dst(%dma_wait3A_388 : memref<64x128xf32, #tpu.memory_space<hbm>>)
      } else {
      }
      %add3A_93 = arith.constant 0 : i32
      %add3A_94 = arith.addi %scan3A_72, %add3A_93 : i32
      %mul3A_95 = arith.constant 5 : i32
      %mul3A_96 = arith.muli %add3A_94, %mul3A_95 : i32
      %add3A_97 = arith.constant 3 : i32
      %add3A_98 = arith.addi %mul3A_96, %add3A_97 : i32
      %dma_start3A_99 = arith.constant 0 : i32
      %dma_start3A_100 = tpu.memref_slice %arg5[%add3A_98, %dma_start3A_99] : memref<200x128xi32, #tpu.memory_space<vmem>> -> memref<1x64xi32, #tpu.memory_space<vmem>>
      %dma_start3A_101 = tpu.memref_squeeze %dma_start3A_100 : memref<1x64xi32, #tpu.memory_space<vmem>> -> memref<64xi32, #tpu.memory_space<vmem>>
      %dma_start3A_102 = arith.constant 0 : i32
      %dma_start3A_103 = arith.constant 0 : i32
      %dma_start3A_104 = tpu.memref_slice %arg2[%dma_start3A_102, %dma_start3A_103] : memref<100000x128xf32, #tpu.memory_space<hbm>> -> memref<100000x128xf32, #tpu.memory_space<hbm>>
      tpu.enqueue_indirect_dma source(%dma_start3A_104 : memref<100000x128xf32, #tpu.memory_space<hbm>>) target(%arg12 : memref<64x128xf32, #tpu.memory_space<vmem>>) offsets(%dma_start3A_101 : memref<64xi32, #tpu.memory_space<vmem>>) semaphore(%arg22 : memref<!tpu.dma_semaphore, #tpu.memory_space<semaphore_mem>>)
      %mul3A_105 = arith.constant 10 : i32
      %mul3A_106 = arith.muli %scan3A_72, %mul3A_105 : i32
      %add3A_107 = arith.constant 1 : i32
      %add3A_108 = arith.addi %mul3A_106, %add3A_107 : i32
      %dma_wait3A_109 = arith.constant 0 : i32
      %dma_wait3A_110 = arith.constant 0 : i32
      %dma_wait3A_111 = tpu.memref_slice %arg5[%dma_wait3A_109, %dma_wait3A_110] : memref<200x128xi32, #tpu.memory_space<vmem>> -> memref<1x64xi32, #tpu.memory_space<vmem>>
      %dma_wait3A_112 = tpu.memref_squeeze %dma_wait3A_111 : memref<1x64xi32, #tpu.memory_space<vmem>> -> memref<64xi32, #tpu.memory_space<vmem>>
      %dma_wait3A_113 = arith.constant 0 : i32
      %dma_wait3A_114 = arith.constant 0 : i32
      %dma_wait3A_115 = tpu.memref_slice %arg2[%dma_wait3A_113, %dma_wait3A_114] : memref<100000x128xf32, #tpu.memory_space<hbm>> -> memref<100000x128xf32, #tpu.memory_space<hbm>>
      tpu.wait_indirect_dma semaphore(%arg17 : memref<!tpu.dma_semaphore, #tpu.memory_space<semaphore_mem>>) src(%dma_wait3A_115 : memref<100000x128xf32, #tpu.memory_space<hbm>>) dst(%arg7 : memref<64x128xf32, #tpu.memory_space<vmem>>)
      %mul3A_116 = arith.constant 64 : i32
      %mul3A_117 = arith.muli %add3A_108, %mul3A_116 : i32
      %add3A_118 = arith.addi %mul3A_2, %mul3A_117 : i32
      %dma_start3A_119 = arith.constant 0 : i32
      %dma_start3A_120 = tpu.memref_slice %arg4[%add3A_118, %dma_start3A_119] : memref<819200x128xf32, #tpu.memory_space<hbm>> -> memref<64x128xf32, #tpu.memory_space<hbm>>
      %dma_start3A_121 = arith.constant 0 : i32
      %dma_start3A_122 = tpu.memref_slice %arg4[%add3A_118, %dma_start3A_121] : memref<819200x128xf32, #tpu.memory_space<hbm>> -> memref<64x128xf32, #tpu.memory_space<hbm>>
      tpu.enqueue_dma source(%arg7 : memref<64x128xf32, #tpu.memory_space<vmem>>) target(%dma_start3A_122 : memref<64x128xf32, #tpu.memory_space<hbm>>) target_semaphore(%arg27 : memref<!tpu.dma_semaphore, #tpu.memory_space<semaphore_mem>>)
      %ge3A_123 = arith.constant 1 : i32
      %ge3A_124 = arith.cmpi sge, %scan3A_72, %ge3A_123 : i32
      %convert_element_type3A_125 = arith.extui %ge3A_124 : i1 to i32
      %cond3A_126 = arith.constant 0 : i32
      %cond3A_127 = arith.cmpi ne, %convert_element_type3A_125, %cond3A_126 : i32
      scf.if %cond3A_127 {
        %dma_wait3A_383 = arith.constant 0 : i32
        %dma_wait3A_384 = arith.constant 0 : i32
        %dma_wait3A_385 = tpu.memref_slice %arg4[%dma_wait3A_383, %dma_wait3A_384] : memref<819200x128xf32, #tpu.memory_space<hbm>> -> memref<64x128xf32, #tpu.memory_space<hbm>>
        %dma_wait3A_386 = arith.constant 0 : i32
        %dma_wait3A_387 = arith.constant 0 : i32
        %dma_wait3A_388 = tpu.memref_slice %arg4[%dma_wait3A_386, %dma_wait3A_387] : memref<819200x128xf32, #tpu.memory_space<hbm>> -> memref<64x128xf32, #tpu.memory_space<hbm>>
        tpu.wait_dma2 semaphore(%arg33 : memref<!tpu.dma_semaphore, #tpu.memory_space<semaphore_mem>>) src(%arg13 : memref<64x128xf32, #tpu.memory_space<vmem>>) dst(%dma_wait3A_388 : memref<64x128xf32, #tpu.memory_space<hbm>>)
      } else {
      }
      %add3A_128 = arith.constant 0 : i32
      %add3A_129 = arith.addi %scan3A_72, %add3A_128 : i32
      %mul3A_130 = arith.constant 5 : i32
      %mul3A_131 = arith.muli %add3A_129, %mul3A_130 : i32
      %add3A_132 = arith.constant 3 : i32
      %add3A_133 = arith.addi %mul3A_131, %add3A_132 : i32
      %dma_start3A_134 = arith.constant 64 : i32
      %dma_start3A_135 = tpu.memref_slice %arg5[%add3A_133, %dma_start3A_134] : memref<200x128xi32, #tpu.memory_space<vmem>> -> memref<1x64xi32, #tpu.memory_space<vmem>>
      %dma_start3A_136 = tpu.memref_squeeze %dma_start3A_135 : memref<1x64xi32, #tpu.memory_space<vmem>> -> memref<64xi32, #tpu.memory_space<vmem>>
      %dma_start3A_137 = arith.constant 0 : i32
      %dma_start3A_138 = arith.constant 0 : i32
      %dma_start3A_139 = tpu.memref_slice %arg2[%dma_start3A_137, %dma_start3A_138] : memref<100000x128xf32, #tpu.memory_space<hbm>> -> memref<100000x128xf32, #tpu.memory_space<hbm>>
      tpu.enqueue_indirect_dma source(%dma_start3A_139 : memref<100000x128xf32, #tpu.memory_space<hbm>>) target(%arg13 : memref<64x128xf32, #tpu.memory_space<vmem>>) offsets(%dma_start3A_136 : memref<64xi32, #tpu.memory_space<vmem>>) semaphore(%arg23 : memref<!tpu.dma_semaphore, #tpu.memory_space<semaphore_mem>>)
      %mul3A_140 = arith.constant 10 : i32
      %mul3A_141 = arith.muli %scan3A_72, %mul3A_140 : i32
      %add3A_142 = arith.constant 2 : i32
      %add3A_143 = arith.addi %mul3A_141, %add3A_142 : i32
      %dma_wait3A_144 = arith.constant 0 : i32
      %dma_wait3A_145 = arith.constant 0 : i32
      %dma_wait3A_146 = tpu.memref_slice %arg5[%dma_wait3A_144, %dma_wait3A_145] : memref<200x128xi32, #tpu.memory_space<vmem>> -> memref<1x64xi32, #tpu.memory_space<vmem>>
      %dma_wait3A_147 = tpu.memref_squeeze %dma_wait3A_146 : memref<1x64xi32, #tpu.memory_space<vmem>> -> memref<64xi32, #tpu.memory_space<vmem>>
      %dma_wait3A_148 = arith.constant 0 : i32
      %dma_wait3A_149 = arith.constant 0 : i32
      %dma_wait3A_150 = tpu.memref_slice %arg2[%dma_wait3A_148, %dma_wait3A_149] : memref<100000x128xf32, #tpu.memory_space<hbm>> -> memref<100000x128xf32, #tpu.memory_space<hbm>>
      tpu.wait_indirect_dma semaphore(%arg18 : memref<!tpu.dma_semaphore, #tpu.memory_space<semaphore_mem>>) src(%dma_wait3A_150 : memref<100000x128xf32, #tpu.memory_space<hbm>>) dst(%arg8 : memref<64x128xf32, #tpu.memory_space<vmem>>)
      %mul3A_151 = arith.constant 64 : i32
      %mul3A_152 = arith.muli %add3A_143, %mul3A_151 : i32
      %add3A_153 = arith.addi %mul3A_2, %mul3A_152 : i32
      %dma_start3A_154 = arith.constant 0 : i32
      %dma_start3A_155 = tpu.memref_slice %arg4[%add3A_153, %dma_start3A_154] : memref<819200x128xf32, #tpu.memory_space<hbm>> -> memref<64x128xf32, #tpu.memory_space<hbm>>
      %dma_start3A_156 = arith.constant 0 : i32
      %dma_start3A_157 = tpu.memref_slice %arg4[%add3A_153, %dma_start3A_156] : memref<819200x128xf32, #tpu.memory_space<hbm>> -> memref<64x128xf32, #tpu.memory_space<hbm>>
      tpu.enqueue_dma source(%arg8 : memref<64x128xf32, #tpu.memory_space<vmem>>) target(%dma_start3A_157 : memref<64x128xf32, #tpu.memory_space<hbm>>) target_semaphore(%arg28 : memref<!tpu.dma_semaphore, #tpu.memory_space<semaphore_mem>>)
      %ge3A_158 = arith.constant 1 : i32
      %ge3A_159 = arith.cmpi sge, %scan3A_72, %ge3A_158 : i32
      %convert_element_type3A_160 = arith.extui %ge3A_159 : i1 to i32
      %cond3A_161 = arith.constant 0 : i32
      %cond3A_162 = arith.cmpi ne, %convert_element_type3A_160, %cond3A_161 : i32
      scf.if %cond3A_162 {
        %dma_wait3A_383 = arith.constant 0 : i32
        %dma_wait3A_384 = arith.constant 0 : i32
        %dma_wait3A_385 = tpu.memref_slice %arg4[%dma_wait3A_383, %dma_wait3A_384] : memref<819200x128xf32, #tpu.memory_space<hbm>> -> memref<64x128xf32, #tpu.memory_space<hbm>>
        %dma_wait3A_386 = arith.constant 0 : i32
        %dma_wait3A_387 = arith.constant 0 : i32
        %dma_wait3A_388 = tpu.memref_slice %arg4[%dma_wait3A_386, %dma_wait3A_387] : memref<819200x128xf32, #tpu.memory_space<hbm>> -> memref<64x128xf32, #tpu.memory_space<hbm>>
        tpu.wait_dma2 semaphore(%arg34 : memref<!tpu.dma_semaphore, #tpu.memory_space<semaphore_mem>>) src(%arg14 : memref<64x128xf32, #tpu.memory_space<vmem>>) dst(%dma_wait3A_388 : memref<64x128xf32, #tpu.memory_space<hbm>>)
      } else {
      }
      %add3A_163 = arith.constant 0 : i32
      %add3A_164 = arith.addi %scan3A_72, %add3A_163 : i32
      %mul3A_165 = arith.constant 5 : i32
      %mul3A_166 = arith.muli %add3A_164, %mul3A_165 : i32
      %add3A_167 = arith.constant 4 : i32
      %add3A_168 = arith.addi %mul3A_166, %add3A_167 : i32
      %dma_start3A_169 = arith.constant 0 : i32
      %dma_start3A_170 = tpu.memref_slice %arg5[%add3A_168, %dma_start3A_169] : memref<200x128xi32, #tpu.memory_space<vmem>> -> memref<1x64xi32, #tpu.memory_space<vmem>>
      %dma_start3A_171 = tpu.memref_squeeze %dma_start3A_170 : memref<1x64xi32, #tpu.memory_space<vmem>> -> memref<64xi32, #tpu.memory_space<vmem>>
      %dma_start3A_172 = arith.constant 0 : i32
      %dma_start3A_173 = arith.constant 0 : i32
      %dma_start3A_174 = tpu.memref_slice %arg2[%dma_start3A_172, %dma_start3A_173] : memref<100000x128xf32, #tpu.memory_space<hbm>> -> memref<100000x128xf32, #tpu.memory_space<hbm>>
      tpu.enqueue_indirect_dma source(%dma_start3A_174 : memref<100000x128xf32, #tpu.memory_space<hbm>>) target(%arg14 : memref<64x128xf32, #tpu.memory_space<vmem>>) offsets(%dma_start3A_171 : memref<64xi32, #tpu.memory_space<vmem>>) semaphore(%arg24 : memref<!tpu.dma_semaphore, #tpu.memory_space<semaphore_mem>>)
      %mul3A_175 = arith.constant 10 : i32
      %mul3A_176 = arith.muli %scan3A_72, %mul3A_175 : i32
      %add3A_177 = arith.constant 3 : i32
      %add3A_178 = arith.addi %mul3A_176, %add3A_177 : i32
      %dma_wait3A_179 = arith.constant 0 : i32
      %dma_wait3A_180 = arith.constant 0 : i32
      %dma_wait3A_181 = tpu.memref_slice %arg5[%dma_wait3A_179, %dma_wait3A_180] : memref<200x128xi32, #tpu.memory_space<vmem>> -> memref<1x64xi32, #tpu.memory_space<vmem>>
      %dma_wait3A_182 = tpu.memref_squeeze %dma_wait3A_181 : memref<1x64xi32, #tpu.memory_space<vmem>> -> memref<64xi32, #tpu.memory_space<vmem>>
      %dma_wait3A_183 = arith.constant 0 : i32
      %dma_wait3A_184 = arith.constant 0 : i32
      %dma_wait3A_185 = tpu.memref_slice %arg2[%dma_wait3A_183, %dma_wait3A_184] : memref<100000x128xf32, #tpu.memory_space<hbm>> -> memref<100000x128xf32, #tpu.memory_space<hbm>>
      tpu.wait_indirect_dma semaphore(%arg19 : memref<!tpu.dma_semaphore, #tpu.memory_space<semaphore_mem>>) src(%dma_wait3A_185 : memref<100000x128xf32, #tpu.memory_space<hbm>>) dst(%arg9 : memref<64x128xf32, #tpu.memory_space<vmem>>)
      %mul3A_186 = arith.constant 64 : i32
      %mul3A_187 = arith.muli %add3A_178, %mul3A_186 : i32
      %add3A_188 = arith.addi %mul3A_2, %mul3A_187 : i32
      %dma_start3A_189 = arith.constant 0 : i32
      %dma_start3A_190 = tpu.memref_slice %arg4[%add3A_188, %dma_start3A_189] : memref<819200x128xf32, #tpu.memory_space<hbm>> -> memref<64x128xf32, #tpu.memory_space<hbm>>
      %dma_start3A_191 = arith.constant 0 : i32
      %dma_start3A_192 = tpu.memref_slice %arg4[%add3A_188, %dma_start3A_191] : memref<819200x128xf32, #tpu.memory_space<hbm>> -> memref<64x128xf32, #tpu.memory_space<hbm>>
      tpu.enqueue_dma source(%arg9 : memref<64x128xf32, #tpu.memory_space<vmem>>) target(%dma_start3A_192 : memref<64x128xf32, #tpu.memory_space<hbm>>) target_semaphore(%arg29 : memref<!tpu.dma_semaphore, #tpu.memory_space<semaphore_mem>>)
      %ge3A_193 = arith.constant 1 : i32
      %ge3A_194 = arith.cmpi sge, %scan3A_72, %ge3A_193 : i32
      %convert_element_type3A_195 = arith.extui %ge3A_194 : i1 to i32
      %cond3A_196 = arith.constant 0 : i32
      %cond3A_197 = arith.cmpi ne, %convert_element_type3A_195, %cond3A_196 : i32
      scf.if %cond3A_197 {
        %dma_wait3A_383 = arith.constant 0 : i32
        %dma_wait3A_384 = arith.constant 0 : i32
        %dma_wait3A_385 = tpu.memref_slice %arg4[%dma_wait3A_383, %dma_wait3A_384] : memref<819200x128xf32, #tpu.memory_space<hbm>> -> memref<64x128xf32, #tpu.memory_space<hbm>>
        %dma_wait3A_386 = arith.constant 0 : i32
        %dma_wait3A_387 = arith.constant 0 : i32
        %dma_wait3A_388 = tpu.memref_slice %arg4[%dma_wait3A_386, %dma_wait3A_387] : memref<819200x128xf32, #tpu.memory_space<hbm>> -> memref<64x128xf32, #tpu.memory_space<hbm>>
        tpu.wait_dma2 semaphore(%arg35 : memref<!tpu.dma_semaphore, #tpu.memory_space<semaphore_mem>>) src(%arg15 : memref<64x128xf32, #tpu.memory_space<vmem>>) dst(%dma_wait3A_388 : memref<64x128xf32, #tpu.memory_space<hbm>>)
      } else {
      }
      %add3A_198 = arith.constant 0 : i32
      %add3A_199 = arith.addi %scan3A_72, %add3A_198 : i32
      %mul3A_200 = arith.constant 5 : i32
      %mul3A_201 = arith.muli %add3A_199, %mul3A_200 : i32
      %add3A_202 = arith.constant 4 : i32
      %add3A_203 = arith.addi %mul3A_201, %add3A_202 : i32
      %dma_start3A_204 = arith.constant 64 : i32
      %dma_start3A_205 = tpu.memref_slice %arg5[%add3A_203, %dma_start3A_204] : memref<200x128xi32, #tpu.memory_space<vmem>> -> memref<1x64xi32, #tpu.memory_space<vmem>>
      %dma_start3A_206 = tpu.memref_squeeze %dma_start3A_205 : memref<1x64xi32, #tpu.memory_space<vmem>> -> memref<64xi32, #tpu.memory_space<vmem>>
      %dma_start3A_207 = arith.constant 0 : i32
      %dma_start3A_208 = arith.constant 0 : i32
      %dma_start3A_209 = tpu.memref_slice %arg2[%dma_start3A_207, %dma_start3A_208] : memref<100000x128xf32, #tpu.memory_space<hbm>> -> memref<100000x128xf32, #tpu.memory_space<hbm>>
      tpu.enqueue_indirect_dma source(%dma_start3A_209 : memref<100000x128xf32, #tpu.memory_space<hbm>>) target(%arg15 : memref<64x128xf32, #tpu.memory_space<vmem>>) offsets(%dma_start3A_206 : memref<64xi32, #tpu.memory_space<vmem>>) semaphore(%arg25 : memref<!tpu.dma_semaphore, #tpu.memory_space<semaphore_mem>>)
      %mul3A_210 = arith.constant 10 : i32
      %mul3A_211 = arith.muli %scan3A_72, %mul3A_210 : i32
      %add3A_212 = arith.constant 4 : i32
      %add3A_213 = arith.addi %mul3A_211, %add3A_212 : i32
      %dma_wait3A_214 = arith.constant 0 : i32
      %dma_wait3A_215 = arith.constant 0 : i32
      %dma_wait3A_216 = tpu.memref_slice %arg5[%dma_wait3A_214, %dma_wait3A_215] : memref<200x128xi32, #tpu.memory_space<vmem>> -> memref<1x64xi32, #tpu.memory_space<vmem>>
      %dma_wait3A_217 = tpu.memref_squeeze %dma_wait3A_216 : memref<1x64xi32, #tpu.memory_space<vmem>> -> memref<64xi32, #tpu.memory_space<vmem>>
      %dma_wait3A_218 = arith.constant 0 : i32
      %dma_wait3A_219 = arith.constant 0 : i32
      %dma_wait3A_220 = tpu.memref_slice %arg2[%dma_wait3A_218, %dma_wait3A_219] : memref<100000x128xf32, #tpu.memory_space<hbm>> -> memref<100000x128xf32, #tpu.memory_space<hbm>>
      tpu.wait_indirect_dma semaphore(%arg20 : memref<!tpu.dma_semaphore, #tpu.memory_space<semaphore_mem>>) src(%dma_wait3A_220 : memref<100000x128xf32, #tpu.memory_space<hbm>>) dst(%arg10 : memref<64x128xf32, #tpu.memory_space<vmem>>)
      %mul3A_221 = arith.constant 64 : i32
      %mul3A_222 = arith.muli %add3A_213, %mul3A_221 : i32
      %add3A_223 = arith.addi %mul3A_2, %mul3A_222 : i32
      %dma_start3A_224 = arith.constant 0 : i32
      %dma_start3A_225 = tpu.memref_slice %arg4[%add3A_223, %dma_start3A_224] : memref<819200x128xf32, #tpu.memory_space<hbm>> -> memref<64x128xf32, #tpu.memory_space<hbm>>
      %dma_start3A_226 = arith.constant 0 : i32
      %dma_start3A_227 = tpu.memref_slice %arg4[%add3A_223, %dma_start3A_226] : memref<819200x128xf32, #tpu.memory_space<hbm>> -> memref<64x128xf32, #tpu.memory_space<hbm>>
      tpu.enqueue_dma source(%arg10 : memref<64x128xf32, #tpu.memory_space<vmem>>) target(%dma_start3A_227 : memref<64x128xf32, #tpu.memory_space<hbm>>) target_semaphore(%arg30 : memref<!tpu.dma_semaphore, #tpu.memory_space<semaphore_mem>>)
      %dma_wait3A_228 = arith.constant 0 : i32
      %dma_wait3A_229 = arith.constant 0 : i32
      %dma_wait3A_230 = tpu.memref_slice %arg4[%dma_wait3A_228, %dma_wait3A_229] : memref<819200x128xf32, #tpu.memory_space<hbm>> -> memref<64x128xf32, #tpu.memory_space<hbm>>
      %dma_wait3A_231 = arith.constant 0 : i32
      %dma_wait3A_232 = arith.constant 0 : i32
      %dma_wait3A_233 = tpu.memref_slice %arg4[%dma_wait3A_231, %dma_wait3A_232] : memref<819200x128xf32, #tpu.memory_space<hbm>> -> memref<64x128xf32, #tpu.memory_space<hbm>>
      tpu.wait_dma2 semaphore(%arg26 : memref<!tpu.dma_semaphore, #tpu.memory_space<semaphore_mem>>) src(%arg6 : memref<64x128xf32, #tpu.memory_space<vmem>>) dst(%dma_wait3A_233 : memref<64x128xf32, #tpu.memory_space<hbm>>)
      %lt3A = arith.constant 39 : i32
      %lt3A_234 = arith.cmpi slt, %scan3A_72, %lt3A : i32
      %convert_element_type3A_235 = arith.extui %lt3A_234 : i1 to i32
      %cond3A_236 = arith.constant 0 : i32
      %cond3A_237 = arith.cmpi ne, %convert_element_type3A_235, %cond3A_236 : i32
      scf.if %cond3A_237 {
        %add3A_383 = arith.constant 1 : i32
        %add3A_384 = arith.addi %scan3A_72, %add3A_383 : i32
        %mul3A_385 = arith.constant 5 : i32
        %mul3A_386 = arith.muli %add3A_384, %mul3A_385 : i32
        %add3A_387 = arith.constant 0 : i32
        %add3A_388 = arith.addi %mul3A_386, %add3A_387 : i32
        %dma_start3A_389 = arith.constant 0 : i32
        %dma_start3A_390 = tpu.memref_slice %arg5[%add3A_388, %dma_start3A_389] : memref<200x128xi32, #tpu.memory_space<vmem>> -> memref<1x64xi32, #tpu.memory_space<vmem>>
        %dma_start3A_391 = tpu.memref_squeeze %dma_start3A_390 : memref<1x64xi32, #tpu.memory_space<vmem>> -> memref<64xi32, #tpu.memory_space<vmem>>
        %dma_start3A_392 = arith.constant 0 : i32
        %dma_start3A_393 = arith.constant 0 : i32
        %dma_start3A_394 = tpu.memref_slice %arg2[%dma_start3A_392, %dma_start3A_393] : memref<100000x128xf32, #tpu.memory_space<hbm>> -> memref<100000x128xf32, #tpu.memory_space<hbm>>
        tpu.enqueue_indirect_dma source(%dma_start3A_394 : memref<100000x128xf32, #tpu.memory_space<hbm>>) target(%arg6 : memref<64x128xf32, #tpu.memory_space<vmem>>) offsets(%dma_start3A_391 : memref<64xi32, #tpu.memory_space<vmem>>) semaphore(%arg16 : memref<!tpu.dma_semaphore, #tpu.memory_space<semaphore_mem>>)
      } else {
      }
      %mul3A_238 = arith.constant 10 : i32
      %mul3A_239 = arith.muli %scan3A_72, %mul3A_238 : i32
      %add3A_240 = arith.constant 5 : i32
      %add3A_241 = arith.addi %mul3A_239, %add3A_240 : i32
      %dma_wait3A_242 = arith.constant 0 : i32
      %dma_wait3A_243 = arith.constant 0 : i32
      %dma_wait3A_244 = tpu.memref_slice %arg5[%dma_wait3A_242, %dma_wait3A_243] : memref<200x128xi32, #tpu.memory_space<vmem>> -> memref<1x64xi32, #tpu.memory_space<vmem>>
      %dma_wait3A_245 = tpu.memref_squeeze %dma_wait3A_244 : memref<1x64xi32, #tpu.memory_space<vmem>> -> memref<64xi32, #tpu.memory_space<vmem>>
      %dma_wait3A_246 = arith.constant 0 : i32
      %dma_wait3A_247 = arith.constant 0 : i32
      %dma_wait3A_248 = tpu.memref_slice %arg2[%dma_wait3A_246, %dma_wait3A_247] : memref<100000x128xf32, #tpu.memory_space<hbm>> -> memref<100000x128xf32, #tpu.memory_space<hbm>>
      tpu.wait_indirect_dma semaphore(%arg21 : memref<!tpu.dma_semaphore, #tpu.memory_space<semaphore_mem>>) src(%dma_wait3A_248 : memref<100000x128xf32, #tpu.memory_space<hbm>>) dst(%arg11 : memref<64x128xf32, #tpu.memory_space<vmem>>)
      %mul3A_249 = arith.constant 64 : i32
      %mul3A_250 = arith.muli %add3A_241, %mul3A_249 : i32
      %add3A_251 = arith.addi %mul3A_2, %mul3A_250 : i32
      %dma_start3A_252 = arith.constant 0 : i32
      %dma_start3A_253 = tpu.memref_slice %arg4[%add3A_251, %dma_start3A_252] : memref<819200x128xf32, #tpu.memory_space<hbm>> -> memref<64x128xf32, #tpu.memory_space<hbm>>
      %dma_start3A_254 = arith.constant 0 : i32
      %dma_start3A_255 = tpu.memref_slice %arg4[%add3A_251, %dma_start3A_254] : memref<819200x128xf32, #tpu.memory_space<hbm>> -> memref<64x128xf32, #tpu.memory_space<hbm>>
      tpu.enqueue_dma source(%arg11 : memref<64x128xf32, #tpu.memory_space<vmem>>) target(%dma_start3A_255 : memref<64x128xf32, #tpu.memory_space<hbm>>) target_semaphore(%arg31 : memref<!tpu.dma_semaphore, #tpu.memory_space<semaphore_mem>>)
      %dma_wait3A_256 = arith.constant 0 : i32
      %dma_wait3A_257 = arith.constant 0 : i32
      %dma_wait3A_258 = tpu.memref_slice %arg4[%dma_wait3A_256, %dma_wait3A_257] : memref<819200x128xf32, #tpu.memory_space<hbm>> -> memref<64x128xf32, #tpu.memory_space<hbm>>
      %dma_wait3A_259 = arith.constant 0 : i32
      %dma_wait3A_260 = arith.constant 0 : i32
      %dma_wait3A_261 = tpu.memref_slice %arg4[%dma_wait3A_259, %dma_wait3A_260] : memref<819200x128xf32, #tpu.memory_space<hbm>> -> memref<64x128xf32, #tpu.memory_space<hbm>>
      tpu.wait_dma2 semaphore(%arg27 : memref<!tpu.dma_semaphore, #tpu.memory_space<semaphore_mem>>) src(%arg7 : memref<64x128xf32, #tpu.memory_space<vmem>>) dst(%dma_wait3A_261 : memref<64x128xf32, #tpu.memory_space<hbm>>)
      %lt3A_262 = arith.constant 39 : i32
      %lt3A_263 = arith.cmpi slt, %scan3A_72, %lt3A_262 : i32
      %convert_element_type3A_264 = arith.extui %lt3A_263 : i1 to i32
      %cond3A_265 = arith.constant 0 : i32
      %cond3A_266 = arith.cmpi ne, %convert_element_type3A_264, %cond3A_265 : i32
      scf.if %cond3A_266 {
        %add3A_383 = arith.constant 1 : i32
        %add3A_384 = arith.addi %scan3A_72, %add3A_383 : i32
        %mul3A_385 = arith.constant 5 : i32
        %mul3A_386 = arith.muli %add3A_384, %mul3A_385 : i32
        %add3A_387 = arith.constant 0 : i32
        %add3A_388 = arith.addi %mul3A_386, %add3A_387 : i32
        %dma_start3A_389 = arith.constant 64 : i32
        %dma_start3A_390 = tpu.memref_slice %arg5[%add3A_388, %dma_start3A_389] : memref<200x128xi32, #tpu.memory_space<vmem>> -> memref<1x64xi32, #tpu.memory_space<vmem>>
        %dma_start3A_391 = tpu.memref_squeeze %dma_start3A_390 : memref<1x64xi32, #tpu.memory_space<vmem>> -> memref<64xi32, #tpu.memory_space<vmem>>
        %dma_start3A_392 = arith.constant 0 : i32
        %dma_start3A_393 = arith.constant 0 : i32
        %dma_start3A_394 = tpu.memref_slice %arg2[%dma_start3A_392, %dma_start3A_393] : memref<100000x128xf32, #tpu.memory_space<hbm>> -> memref<100000x128xf32, #tpu.memory_space<hbm>>
        tpu.enqueue_indirect_dma source(%dma_start3A_394 : memref<100000x128xf32, #tpu.memory_space<hbm>>) target(%arg7 : memref<64x128xf32, #tpu.memory_space<vmem>>) offsets(%dma_start3A_391 : memref<64xi32, #tpu.memory_space<vmem>>) semaphore(%arg17 : memref<!tpu.dma_semaphore, #tpu.memory_space<semaphore_mem>>)
      } else {
      }
      %mul3A_267 = arith.constant 10 : i32
      %mul3A_268 = arith.muli %scan3A_72, %mul3A_267 : i32
      %add3A_269 = arith.constant 6 : i32
      %add3A_270 = arith.addi %mul3A_268, %add3A_269 : i32
      %dma_wait3A_271 = arith.constant 0 : i32
      %dma_wait3A_272 = arith.constant 0 : i32
      %dma_wait3A_273 = tpu.memref_slice %arg5[%dma_wait3A_271, %dma_wait3A_272] : memref<200x128xi32, #tpu.memory_space<vmem>> -> memref<1x64xi32, #tpu.memory_space<vmem>>
      %dma_wait3A_274 = tpu.memref_squeeze %dma_wait3A_273 : memref<1x64xi32, #tpu.memory_space<vmem>> -> memref<64xi32, #tpu.memory_space<vmem>>
      %dma_wait3A_275 = arith.constant 0 : i32
      %dma_wait3A_276 = arith.constant 0 : i32
      %dma_wait3A_277 = tpu.memref_slice %arg2[%dma_wait3A_275, %dma_wait3A_276] : memref<100000x128xf32, #tpu.memory_space<hbm>> -> memref<100000x128xf32, #tpu.memory_space<hbm>>
      tpu.wait_indirect_dma semaphore(%arg22 : memref<!tpu.dma_semaphore, #tpu.memory_space<semaphore_mem>>) src(%dma_wait3A_277 : memref<100000x128xf32, #tpu.memory_space<hbm>>) dst(%arg12 : memref<64x128xf32, #tpu.memory_space<vmem>>)
      %mul3A_278 = arith.constant 64 : i32
      %mul3A_279 = arith.muli %add3A_270, %mul3A_278 : i32
      %add3A_280 = arith.addi %mul3A_2, %mul3A_279 : i32
      %dma_start3A_281 = arith.constant 0 : i32
      %dma_start3A_282 = tpu.memref_slice %arg4[%add3A_280, %dma_start3A_281] : memref<819200x128xf32, #tpu.memory_space<hbm>> -> memref<64x128xf32, #tpu.memory_space<hbm>>
      %dma_start3A_283 = arith.constant 0 : i32
      %dma_start3A_284 = tpu.memref_slice %arg4[%add3A_280, %dma_start3A_283] : memref<819200x128xf32, #tpu.memory_space<hbm>> -> memref<64x128xf32, #tpu.memory_space<hbm>>
      tpu.enqueue_dma source(%arg12 : memref<64x128xf32, #tpu.memory_space<vmem>>) target(%dma_start3A_284 : memref<64x128xf32, #tpu.memory_space<hbm>>) target_semaphore(%arg32 : memref<!tpu.dma_semaphore, #tpu.memory_space<semaphore_mem>>)
      %dma_wait3A_285 = arith.constant 0 : i32
      %dma_wait3A_286 = arith.constant 0 : i32
      %dma_wait3A_287 = tpu.memref_slice %arg4[%dma_wait3A_285, %dma_wait3A_286] : memref<819200x128xf32, #tpu.memory_space<hbm>> -> memref<64x128xf32, #tpu.memory_space<hbm>>
      %dma_wait3A_288 = arith.constant 0 : i32
      %dma_wait3A_289 = arith.constant 0 : i32
      %dma_wait3A_290 = tpu.memref_slice %arg4[%dma_wait3A_288, %dma_wait3A_289] : memref<819200x128xf32, #tpu.memory_space<hbm>> -> memref<64x128xf32, #tpu.memory_space<hbm>>
      tpu.wait_dma2 semaphore(%arg28 : memref<!tpu.dma_semaphore, #tpu.memory_space<semaphore_mem>>) src(%arg8 : memref<64x128xf32, #tpu.memory_space<vmem>>) dst(%dma_wait3A_290 : memref<64x128xf32, #tpu.memory_space<hbm>>)
      %lt3A_291 = arith.constant 39 : i32
      %lt3A_292 = arith.cmpi slt, %scan3A_72, %lt3A_291 : i32
      %convert_element_type3A_293 = arith.extui %lt3A_292 : i1 to i32
      %cond3A_294 = arith.constant 0 : i32
      %cond3A_295 = arith.cmpi ne, %convert_element_type3A_293, %cond3A_294 : i32
      scf.if %cond3A_295 {
        %add3A_383 = arith.constant 1 : i32
        %add3A_384 = arith.addi %scan3A_72, %add3A_383 : i32
        %mul3A_385 = arith.constant 5 : i32
        %mul3A_386 = arith.muli %add3A_384, %mul3A_385 : i32
        %add3A_387 = arith.constant 1 : i32
        %add3A_388 = arith.addi %mul3A_386, %add3A_387 : i32
        %dma_start3A_389 = arith.constant 0 : i32
        %dma_start3A_390 = tpu.memref_slice %arg5[%add3A_388, %dma_start3A_389] : memref<200x128xi32, #tpu.memory_space<vmem>> -> memref<1x64xi32, #tpu.memory_space<vmem>>
        %dma_start3A_391 = tpu.memref_squeeze %dma_start3A_390 : memref<1x64xi32, #tpu.memory_space<vmem>> -> memref<64xi32, #tpu.memory_space<vmem>>
        %dma_start3A_392 = arith.constant 0 : i32
        %dma_start3A_393 = arith.constant 0 : i32
        %dma_start3A_394 = tpu.memref_slice %arg2[%dma_start3A_392, %dma_start3A_393] : memref<100000x128xf32, #tpu.memory_space<hbm>> -> memref<100000x128xf32, #tpu.memory_space<hbm>>
        tpu.enqueue_indirect_dma source(%dma_start3A_394 : memref<100000x128xf32, #tpu.memory_space<hbm>>) target(%arg8 : memref<64x128xf32, #tpu.memory_space<vmem>>) offsets(%dma_start3A_391 : memref<64xi32, #tpu.memory_space<vmem>>) semaphore(%arg18 : memref<!tpu.dma_semaphore, #tpu.memory_space<semaphore_mem>>)
      } else {
      }
      %mul3A_296 = arith.constant 10 : i32
      %mul3A_297 = arith.muli %scan3A_72, %mul3A_296 : i32
      %add3A_298 = arith.constant 7 : i32
      %add3A_299 = arith.addi %mul3A_297, %add3A_298 : i32
      %dma_wait3A_300 = arith.constant 0 : i32
      %dma_wait3A_301 = arith.constant 0 : i32
      %dma_wait3A_302 = tpu.memref_slice %arg5[%dma_wait3A_300, %dma_wait3A_301] : memref<200x128xi32, #tpu.memory_space<vmem>> -> memref<1x64xi32, #tpu.memory_space<vmem>>
      %dma_wait3A_303 = tpu.memref_squeeze %dma_wait3A_302 : memref<1x64xi32, #tpu.memory_space<vmem>> -> memref<64xi32, #tpu.memory_space<vmem>>
      %dma_wait3A_304 = arith.constant 0 : i32
      %dma_wait3A_305 = arith.constant 0 : i32
      %dma_wait3A_306 = tpu.memref_slice %arg2[%dma_wait3A_304, %dma_wait3A_305] : memref<100000x128xf32, #tpu.memory_space<hbm>> -> memref<100000x128xf32, #tpu.memory_space<hbm>>
      tpu.wait_indirect_dma semaphore(%arg23 : memref<!tpu.dma_semaphore, #tpu.memory_space<semaphore_mem>>) src(%dma_wait3A_306 : memref<100000x128xf32, #tpu.memory_space<hbm>>) dst(%arg13 : memref<64x128xf32, #tpu.memory_space<vmem>>)
      %mul3A_307 = arith.constant 64 : i32
      %mul3A_308 = arith.muli %add3A_299, %mul3A_307 : i32
      %add3A_309 = arith.addi %mul3A_2, %mul3A_308 : i32
      %dma_start3A_310 = arith.constant 0 : i32
      %dma_start3A_311 = tpu.memref_slice %arg4[%add3A_309, %dma_start3A_310] : memref<819200x128xf32, #tpu.memory_space<hbm>> -> memref<64x128xf32, #tpu.memory_space<hbm>>
      %dma_start3A_312 = arith.constant 0 : i32
      %dma_start3A_313 = tpu.memref_slice %arg4[%add3A_309, %dma_start3A_312] : memref<819200x128xf32, #tpu.memory_space<hbm>> -> memref<64x128xf32, #tpu.memory_space<hbm>>
      tpu.enqueue_dma source(%arg13 : memref<64x128xf32, #tpu.memory_space<vmem>>) target(%dma_start3A_313 : memref<64x128xf32, #tpu.memory_space<hbm>>) target_semaphore(%arg33 : memref<!tpu.dma_semaphore, #tpu.memory_space<semaphore_mem>>)
      %dma_wait3A_314 = arith.constant 0 : i32
      %dma_wait3A_315 = arith.constant 0 : i32
      %dma_wait3A_316 = tpu.memref_slice %arg4[%dma_wait3A_314, %dma_wait3A_315] : memref<819200x128xf32, #tpu.memory_space<hbm>> -> memref<64x128xf32, #tpu.memory_space<hbm>>
      %dma_wait3A_317 = arith.constant 0 : i32
      %dma_wait3A_318 = arith.constant 0 : i32
      %dma_wait3A_319 = tpu.memref_slice %arg4[%dma_wait3A_317, %dma_wait3A_318] : memref<819200x128xf32, #tpu.memory_space<hbm>> -> memref<64x128xf32, #tpu.memory_space<hbm>>
      tpu.wait_dma2 semaphore(%arg29 : memref<!tpu.dma_semaphore, #tpu.memory_space<semaphore_mem>>) src(%arg9 : memref<64x128xf32, #tpu.memory_space<vmem>>) dst(%dma_wait3A_319 : memref<64x128xf32, #tpu.memory_space<hbm>>)
      %lt3A_320 = arith.constant 39 : i32
      %lt3A_321 = arith.cmpi slt, %scan3A_72, %lt3A_320 : i32
      %convert_element_type3A_322 = arith.extui %lt3A_321 : i1 to i32
      %cond3A_323 = arith.constant 0 : i32
      %cond3A_324 = arith.cmpi ne, %convert_element_type3A_322, %cond3A_323 : i32
      scf.if %cond3A_324 {
        %add3A_383 = arith.constant 1 : i32
        %add3A_384 = arith.addi %scan3A_72, %add3A_383 : i32
        %mul3A_385 = arith.constant 5 : i32
        %mul3A_386 = arith.muli %add3A_384, %mul3A_385 : i32
        %add3A_387 = arith.constant 1 : i32
        %add3A_388 = arith.addi %mul3A_386, %add3A_387 : i32
        %dma_start3A_389 = arith.constant 64 : i32
        %dma_start3A_390 = tpu.memref_slice %arg5[%add3A_388, %dma_start3A_389] : memref<200x128xi32, #tpu.memory_space<vmem>> -> memref<1x64xi32, #tpu.memory_space<vmem>>
        %dma_start3A_391 = tpu.memref_squeeze %dma_start3A_390 : memref<1x64xi32, #tpu.memory_space<vmem>> -> memref<64xi32, #tpu.memory_space<vmem>>
        %dma_start3A_392 = arith.constant 0 : i32
        %dma_start3A_393 = arith.constant 0 : i32
        %dma_start3A_394 = tpu.memref_slice %arg2[%dma_start3A_392, %dma_start3A_393] : memref<100000x128xf32, #tpu.memory_space<hbm>> -> memref<100000x128xf32, #tpu.memory_space<hbm>>
        tpu.enqueue_indirect_dma source(%dma_start3A_394 : memref<100000x128xf32, #tpu.memory_space<hbm>>) target(%arg9 : memref<64x128xf32, #tpu.memory_space<vmem>>) offsets(%dma_start3A_391 : memref<64xi32, #tpu.memory_space<vmem>>) semaphore(%arg19 : memref<!tpu.dma_semaphore, #tpu.memory_space<semaphore_mem>>)
      } else {
      }
      %mul3A_325 = arith.constant 10 : i32
      %mul3A_326 = arith.muli %scan3A_72, %mul3A_325 : i32
      %add3A_327 = arith.constant 8 : i32
      %add3A_328 = arith.addi %mul3A_326, %add3A_327 : i32
      %dma_wait3A_329 = arith.constant 0 : i32
      %dma_wait3A_330 = arith.constant 0 : i32
      %dma_wait3A_331 = tpu.memref_slice %arg5[%dma_wait3A_329, %dma_wait3A_330] : memref<200x128xi32, #tpu.memory_space<vmem>> -> memref<1x64xi32, #tpu.memory_space<vmem>>
      %dma_wait3A_332 = tpu.memref_squeeze %dma_wait3A_331 : memref<1x64xi32, #tpu.memory_space<vmem>> -> memref<64xi32, #tpu.memory_space<vmem>>
      %dma_wait3A_333 = arith.constant 0 : i32
      %dma_wait3A_334 = arith.constant 0 : i32
      %dma_wait3A_335 = tpu.memref_slice %arg2[%dma_wait3A_333, %dma_wait3A_334] : memref<100000x128xf32, #tpu.memory_space<hbm>> -> memref<100000x128xf32, #tpu.memory_space<hbm>>
      tpu.wait_indirect_dma semaphore(%arg24 : memref<!tpu.dma_semaphore, #tpu.memory_space<semaphore_mem>>) src(%dma_wait3A_335 : memref<100000x128xf32, #tpu.memory_space<hbm>>) dst(%arg14 : memref<64x128xf32, #tpu.memory_space<vmem>>)
      %mul3A_336 = arith.constant 64 : i32
      %mul3A_337 = arith.muli %add3A_328, %mul3A_336 : i32
      %add3A_338 = arith.addi %mul3A_2, %mul3A_337 : i32
      %dma_start3A_339 = arith.constant 0 : i32
      %dma_start3A_340 = tpu.memref_slice %arg4[%add3A_338, %dma_start3A_339] : memref<819200x128xf32, #tpu.memory_space<hbm>> -> memref<64x128xf32, #tpu.memory_space<hbm>>
      %dma_start3A_341 = arith.constant 0 : i32
      %dma_start3A_342 = tpu.memref_slice %arg4[%add3A_338, %dma_start3A_341] : memref<819200x128xf32, #tpu.memory_space<hbm>> -> memref<64x128xf32, #tpu.memory_space<hbm>>
      tpu.enqueue_dma source(%arg14 : memref<64x128xf32, #tpu.memory_space<vmem>>) target(%dma_start3A_342 : memref<64x128xf32, #tpu.memory_space<hbm>>) target_semaphore(%arg34 : memref<!tpu.dma_semaphore, #tpu.memory_space<semaphore_mem>>)
      %dma_wait3A_343 = arith.constant 0 : i32
      %dma_wait3A_344 = arith.constant 0 : i32
      %dma_wait3A_345 = tpu.memref_slice %arg4[%dma_wait3A_343, %dma_wait3A_344] : memref<819200x128xf32, #tpu.memory_space<hbm>> -> memref<64x128xf32, #tpu.memory_space<hbm>>
      %dma_wait3A_346 = arith.constant 0 : i32
      %dma_wait3A_347 = arith.constant 0 : i32
      %dma_wait3A_348 = tpu.memref_slice %arg4[%dma_wait3A_346, %dma_wait3A_347] : memref<819200x128xf32, #tpu.memory_space<hbm>> -> memref<64x128xf32, #tpu.memory_space<hbm>>
      tpu.wait_dma2 semaphore(%arg30 : memref<!tpu.dma_semaphore, #tpu.memory_space<semaphore_mem>>) src(%arg10 : memref<64x128xf32, #tpu.memory_space<vmem>>) dst(%dma_wait3A_348 : memref<64x128xf32, #tpu.memory_space<hbm>>)
      %lt3A_349 = arith.constant 39 : i32
      %lt3A_350 = arith.cmpi slt, %scan3A_72, %lt3A_349 : i32
      %convert_element_type3A_351 = arith.extui %lt3A_350 : i1 to i32
      %cond3A_352 = arith.constant 0 : i32
      %cond3A_353 = arith.cmpi ne, %convert_element_type3A_351, %cond3A_352 : i32
      scf.if %cond3A_353 {
        %add3A_383 = arith.constant 1 : i32
        %add3A_384 = arith.addi %scan3A_72, %add3A_383 : i32
        %mul3A_385 = arith.constant 5 : i32
        %mul3A_386 = arith.muli %add3A_384, %mul3A_385 : i32
        %add3A_387 = arith.constant 2 : i32
        %add3A_388 = arith.addi %mul3A_386, %add3A_387 : i32
        %dma_start3A_389 = arith.constant 0 : i32
        %dma_start3A_390 = tpu.memref_slice %arg5[%add3A_388, %dma_start3A_389] : memref<200x128xi32, #tpu.memory_space<vmem>> -> memref<1x64xi32, #tpu.memory_space<vmem>>
        %dma_start3A_391 = tpu.memref_squeeze %dma_start3A_390 : memref<1x64xi32, #tpu.memory_space<vmem>> -> memref<64xi32, #tpu.memory_space<vmem>>
        %dma_start3A_392 = arith.constant 0 : i32
        %dma_start3A_393 = arith.constant 0 : i32
        %dma_start3A_394 = tpu.memref_slice %arg2[%dma_start3A_392, %dma_start3A_393] : memref<100000x128xf32, #tpu.memory_space<hbm>> -> memref<100000x128xf32, #tpu.memory_space<hbm>>
        tpu.enqueue_indirect_dma source(%dma_start3A_394 : memref<100000x128xf32, #tpu.memory_space<hbm>>) target(%arg10 : memref<64x128xf32, #tpu.memory_space<vmem>>) offsets(%dma_start3A_391 : memref<64xi32, #tpu.memory_space<vmem>>) semaphore(%arg20 : memref<!tpu.dma_semaphore, #tpu.memory_space<semaphore_mem>>)
      } else {
      }
      %mul3A_354 = arith.constant 10 : i32
      %mul3A_355 = arith.muli %scan3A_72, %mul3A_354 : i32
      %add3A_356 = arith.constant 9 : i32
      %add3A_357 = arith.addi %mul3A_355, %add3A_356 : i32
      %dma_wait3A_358 = arith.constant 0 : i32
      %dma_wait3A_359 = arith.constant 0 : i32
      %dma_wait3A_360 = tpu.memref_slice %arg5[%dma_wait3A_358, %dma_wait3A_359] : memref<200x128xi32, #tpu.memory_space<vmem>> -> memref<1x64xi32, #tpu.memory_space<vmem>>
      %dma_wait3A_361 = tpu.memref_squeeze %dma_wait3A_360 : memref<1x64xi32, #tpu.memory_space<vmem>> -> memref<64xi32, #tpu.memory_space<vmem>>
      %dma_wait3A_362 = arith.constant 0 : i32
      %dma_wait3A_363 = arith.constant 0 : i32
      %dma_wait3A_364 = tpu.memref_slice %arg2[%dma_wait3A_362, %dma_wait3A_363] : memref<100000x128xf32, #tpu.memory_space<hbm>> -> memref<100000x128xf32, #tpu.memory_space<hbm>>
      tpu.wait_indirect_dma semaphore(%arg25 : memref<!tpu.dma_semaphore, #tpu.memory_space<semaphore_mem>>) src(%dma_wait3A_364 : memref<100000x128xf32, #tpu.memory_space<hbm>>) dst(%arg15 : memref<64x128xf32, #tpu.memory_space<vmem>>)
      %mul3A_365 = arith.constant 64 : i32
      %mul3A_366 = arith.muli %add3A_357, %mul3A_365 : i32
      %add3A_367 = arith.addi %mul3A_2, %mul3A_366 : i32
      %dma_start3A_368 = arith.constant 0 : i32
      %dma_start3A_369 = tpu.memref_slice %arg4[%add3A_367, %dma_start3A_368] : memref<819200x128xf32, #tpu.memory_space<hbm>> -> memref<64x128xf32, #tpu.memory_space<hbm>>
      %dma_start3A_370 = arith.constant 0 : i32
      %dma_start3A_371 = tpu.memref_slice %arg4[%add3A_367, %dma_start3A_370] : memref<819200x128xf32, #tpu.memory_space<hbm>> -> memref<64x128xf32, #tpu.memory_space<hbm>>
      tpu.enqueue_dma source(%arg15 : memref<64x128xf32, #tpu.memory_space<vmem>>) target(%dma_start3A_371 : memref<64x128xf32, #tpu.memory_space<hbm>>) target_semaphore(%arg35 : memref<!tpu.dma_semaphore, #tpu.memory_space<semaphore_mem>>)
      %dma_wait3A_372 = arith.constant 0 : i32
      %dma_wait3A_373 = arith.constant 0 : i32
      %dma_wait3A_374 = tpu.memref_slice %arg4[%dma_wait3A_372, %dma_wait3A_373] : memref<819200x128xf32, #tpu.memory_space<hbm>> -> memref<64x128xf32, #tpu.memory_space<hbm>>
      %dma_wait3A_375 = arith.constant 0 : i32
      %dma_wait3A_376 = arith.constant 0 : i32
      %dma_wait3A_377 = tpu.memref_slice %arg4[%dma_wait3A_375, %dma_wait3A_376] : memref<819200x128xf32, #tpu.memory_space<hbm>> -> memref<64x128xf32, #tpu.memory_space<hbm>>
      tpu.wait_dma2 semaphore(%arg31 : memref<!tpu.dma_semaphore, #tpu.memory_space<semaphore_mem>>) src(%arg11 : memref<64x128xf32, #tpu.memory_space<vmem>>) dst(%dma_wait3A_377 : memref<64x128xf32, #tpu.memory_space<hbm>>)
      %lt3A_378 = arith.constant 39 : i32
      %lt3A_379 = arith.cmpi slt, %scan3A_72, %lt3A_378 : i32
      %convert_element_type3A_380 = arith.extui %lt3A_379 : i1 to i32
      %cond3A_381 = arith.constant 0 : i32
      %cond3A_382 = arith.cmpi ne, %convert_element_type3A_380, %cond3A_381 : i32
      scf.if %cond3A_382 {
        %add3A_383 = arith.constant 1 : i32
        %add3A_384 = arith.addi %scan3A_72, %add3A_383 : i32
        %mul3A_385 = arith.constant 5 : i32
        %mul3A_386 = arith.muli %add3A_384, %mul3A_385 : i32
        %add3A_387 = arith.constant 2 : i32
        %add3A_388 = arith.addi %mul3A_386, %add3A_387 : i32
        %dma_start3A_389 = arith.constant 64 : i32
        %dma_start3A_390 = tpu.memref_slice %arg5[%add3A_388, %dma_start3A_389] : memref<200x128xi32, #tpu.memory_space<vmem>> -> memref<1x64xi32, #tpu.memory_space<vmem>>
        %dma_start3A_391 = tpu.memref_squeeze %dma_start3A_390 : memref<1x64xi32, #tpu.memory_space<vmem>> -> memref<64xi32, #tpu.memory_space<vmem>>
        %dma_start3A_392 = arith.constant 0 : i32
        %dma_start3A_393 = arith.constant 0 : i32
        %dma_start3A_394 = tpu.memref_slice %arg2[%dma_start3A_392, %dma_start3A_393] : memref<100000x128xf32, #tpu.memory_space<hbm>> -> memref<100000x128xf32, #tpu.memory_space<hbm>>
        tpu.enqueue_indirect_dma source(%dma_start3A_394 : memref<100000x128xf32, #tpu.memory_space<hbm>>) target(%arg11 : memref<64x128xf32, #tpu.memory_space<vmem>>) offsets(%dma_start3A_391 : memref<64xi32, #tpu.memory_space<vmem>>) semaphore(%arg21 : memref<!tpu.dma_semaphore, #tpu.memory_space<semaphore_mem>>)
      } else {
      }
    }
    %scan3A_48 = arith.constant 40 : i32
    %dma_wait3A = arith.constant 0 : i32
    %dma_wait3A_49 = arith.constant 0 : i32
    %dma_wait3A_50 = tpu.memref_slice %arg4[%dma_wait3A, %dma_wait3A_49] : memref<819200x128xf32, #tpu.memory_space<hbm>> -> memref<64x128xf32, #tpu.memory_space<hbm>>
    %dma_wait3A_51 = arith.constant 0 : i32
    %dma_wait3A_52 = arith.constant 0 : i32
    %dma_wait3A_53 = tpu.memref_slice %arg4[%dma_wait3A_51, %dma_wait3A_52] : memref<819200x128xf32, #tpu.memory_space<hbm>> -> memref<64x128xf32, #tpu.memory_space<hbm>>
    tpu.wait_dma2 semaphore(%arg32 : memref<!tpu.dma_semaphore, #tpu.memory_space<semaphore_mem>>) src(%arg12 : memref<64x128xf32, #tpu.memory_space<vmem>>) dst(%dma_wait3A_53 : memref<64x128xf32, #tpu.memory_space<hbm>>)
    %dma_wait3A_54 = arith.constant 0 : i32
    %dma_wait3A_55 = arith.constant 0 : i32
    %dma_wait3A_56 = tpu.memref_slice %arg4[%dma_wait3A_54, %dma_wait3A_55] : memref<819200x128xf32, #tpu.memory_space<hbm>> -> memref<64x128xf32, #tpu.memory_space<hbm>>
    %dma_wait3A_57 = arith.constant 0 : i32
    %dma_wait3A_58 = arith.constant 0 : i32
    %dma_wait3A_59 = tpu.memref_slice %arg4[%dma_wait3A_57, %dma_wait3A_58] : memref<819200x128xf32, #tpu.memory_space<hbm>> -> memref<64x128xf32, #tpu.memory_space<hbm>>
    tpu.wait_dma2 semaphore(%arg33 : memref<!tpu.dma_semaphore, #tpu.memory_space<semaphore_mem>>) src(%arg13 : memref<64x128xf32, #tpu.memory_space<vmem>>) dst(%dma_wait3A_59 : memref<64x128xf32, #tpu.memory_space<hbm>>)
    %dma_wait3A_60 = arith.constant 0 : i32
    %dma_wait3A_61 = arith.constant 0 : i32
    %dma_wait3A_62 = tpu.memref_slice %arg4[%dma_wait3A_60, %dma_wait3A_61] : memref<819200x128xf32, #tpu.memory_space<hbm>> -> memref<64x128xf32, #tpu.memory_space<hbm>>
    %dma_wait3A_63 = arith.constant 0 : i32
    %dma_wait3A_64 = arith.constant 0 : i32
    %dma_wait3A_65 = tpu.memref_slice %arg4[%dma_wait3A_63, %dma_wait3A_64] : memref<819200x128xf32, #tpu.memory_space<hbm>> -> memref<64x128xf32, #tpu.memory_space<hbm>>
    tpu.wait_dma2 semaphore(%arg34 : memref<!tpu.dma_semaphore, #tpu.memory_space<semaphore_mem>>) src(%arg14 : memref<64x128xf32, #tpu.memory_space<vmem>>) dst(%dma_wait3A_65 : memref<64x128xf32, #tpu.memory_space<hbm>>)
    %dma_wait3A_66 = arith.constant 0 : i32
    %dma_wait3A_67 = arith.constant 0 : i32
    %dma_wait3A_68 = tpu.memref_slice %arg4[%dma_wait3A_66, %dma_wait3A_67] : memref<819200x128xf32, #tpu.memory_space<hbm>> -> memref<64x128xf32, #tpu.memory_space<hbm>>
    %dma_wait3A_69 = arith.constant 0 : i32
    %dma_wait3A_70 = arith.constant 0 : i32
    %dma_wait3A_71 = tpu.memref_slice %arg4[%dma_wait3A_69, %dma_wait3A_70] : memref<819200x128xf32, #tpu.memory_space<hbm>> -> memref<64x128xf32, #tpu.memory_space<hbm>>
    tpu.wait_dma2 semaphore(%arg35 : memref<!tpu.dma_semaphore, #tpu.memory_space<semaphore_mem>>) src(%arg15 : memref<64x128xf32, #tpu.memory_space<vmem>>) dst(%dma_wait3A_71 : memref<64x128xf32, #tpu.memory_space<hbm>>)
    return
  }
}

</mosaic_0001>

<sc_bundles>
// kernel: kernel.3.cloned.1.call-start
scs
__scs_entry_jumppad:
0x0: {  	(pc) =	sbr.rel $0x88, $3  }
0x1: {  	(tag) =	ssettag $0x0;
	lr =	simm.s32 $0x1  }
0x2: {  	[smem:$0x3F9F] =	sst lr;
	_ =	strace $0xD0000000  }
0x3: {  	_ = 	snop  }
0x4: {  	_ = 	snop  }
0x5: {  	_ = 	snop  }
0x6: {  	_ = 	snop  }
0x7: {  	_ = 	snop  }
__scs_overlays_trampoline_lowered:
0x8: {  	[smem:$0x3FAE] =	sst s0  }
0x9: {  	[smem:$0x3FAF] =	sst s1  }
0xa: {  	[smem:$0x3FB0] =	sst s2  }
0xb: {  	[smem:$0x3FB1] =	sst s3  }
0xc: {  	[smem:$0x3FB2] =	sst s4  }
0xd: {  	[smem:$0x3FB3] =	sst s5  }
0xe: {  	[smem:$0x3FB4] =	sst s6  }
0xf: {  	[smem:$0x3FB5] =	sst s7  }
0x10: {  	[smem:$0x3FB6] =	sst s8  }
0x11: {  	[smem:$0x3FB7] =	sst s9;
	s0 =	simm.s32 @!p0 $0x0  }
0x12: {  	s1 =	sld [smem:$0x3F9D];
	s0 =	simm.s32 @p0 $0x1  }
0x13: {  	[smem:$0x3FB8] =	sst s0;
	s0 =	simm.s32 @!p1 $0x0  }
0x14: {  	s2 =	sld [smem:$0x3F9C];
	s0 =	simm.s32 @p1 $0x1  }
0x15: {  	[smem:$0x3FB9] =	sst s0;
	s0 =	simm.s32 @!p2 $0x0  }
0x16: {  	s3 =	sld [smem:$0x3FDB];
	s0 =	simm.s32 @p2 $0x1  }
0x17: {  	s4 =	simm.s32 $0x1BF5;
	[smem:$0x3FBB] =	sst s0  }
0x18: {  	s0 =	sld [smem:$0x3F9E];
	_ =	swait.ge [sflag:s4], $0x0  }
0x19: {  	s7 =	sld [smem:$0x3F9F]  }
0x1a: {  	s8 =	sadd.s32 $0xFFFFE003, lr  }
0x1b: {  	s9 =	sadd.s32 $0xFFFFFEF7, lr;
	s5 =	simm.s32 $0xFFFFFFFF;
	p2 =	slt.u32 s8, $0xFFFFF086  }
0x1c: {  	p1 =	slt.u32 s9, $0xF7A;
	s5 =	simm.s32 @!p2 $0x0  }
0x1d: {  	s5 =	simm.s32 @p1 $0x1;
	p0 =	seq.s32 s7, s2  }
0x1e: {  	s7 =	smul.u32 @!p0 $0xF7A, s2;
	p2 =	seq.s32 @!p0 s5, $0x0  }
0x1f: {  	s9 =	smul.u32 $0xF7A, s1;
	s8 =	simm.s32 @!p0 $0x1BF5;
	p2 =	por !p2, p0  }
0x20: {  	[sflag:s8] =	ssyncset.s32 @!p0 $0xFFFFF086;
	s6 =	sadd.s32 @!p0 s3, s7;
	s7 =	simm.s32 @!p0 $0x108  }
0x21: {  	s3 =	sadd.s32 s3, s9;
	s6 =	sadd.s32 @!p0 $0x88, s6;
	s7 =	simm.s32 @p2 $0x1082  }
0x22: {  	[simem:s7], [sflag:s8] =	dma.local @!p0 [hbm:s6], $0xF7A  }
0x23: {  	s9 =	sor.u32 $0xD0000000, s2;
	s6 =	simm.s32 $0x108;
	_ =	swait.ge @!p0 [sflag:s8], $0x0  }
0x24: {  	s3 =	sadd.s32 $0x88, s3;
	s6 =	simm.s32 @!p1 $0x1082;
	[sflag:s4] =	ssyncset.s32 $0xFFFFF086  }
0x25: {  	[simem:s6], [sflag:s4] =	dma.local [hbm:s3], $0xF7A  }
0x26: {  	[smem:$0x3F9F] =	sst s1;
	(tag) =	ssettag s2;
	_ =	strace s9  }
0x27: {  	s1 =	sld [smem:$0x3FAF]  }
0x28: {  	s2 =	sld [smem:$0x3FB0]  }
0x29: {  	s4 =	sld [smem:$0x3FB2]  }
0x2a: {  	p0 =	seq.s32 s5, $0x0;
	s5 =	sld [smem:$0x3FB3]  }
0x2b: {  	s6 =	sld [smem:$0x3FB4]  }
0x2c: {  	s7 =	sld [smem:$0x3FB5]  }
0x2d: {  	s3 =	simm.s32 $0x108;
	s8 =	sld [smem:$0x3FB6]  }
0x2e: {  	s3 =	simm.s32 @!p0 $0x1082;
	s9 =	sld [smem:$0x3FB7]  }
0x2f: {  	lr =	sadd.s32 s0, s3;
	s0 =	sld [smem:$0x3FAE]  }
0x30: {  	s3 =	sld [smem:$0x3FB1]  }
0x31: {  	[smem:$0x3FBA] =	sst s10  }
0x32: {  	s10 =	sld [smem:$0x3FB8];
	_ =	sdelay $0x3  }
0x33: {  	p0 =	seq.s32 s10, $0x1;
	s10 =	sld [smem:$0x3FBA];
	_ =	sdelay $0x3  }
0x34: {  	[smem:$0x3FBA] =	sst s10  }
0x35: {  	s10 =	sld [smem:$0x3FB9];
	_ =	sdelay $0x3  }
0x36: {  	p1 =	seq.s32 s10, $0x1;
	s10 =	sld [smem:$0x3FBA];
	_ =	sdelay $0x3  }
0x37: {  	[smem:$0x3FBA] =	sst s10  }
0x38: {  	s10 =	sld [smem:$0x3FBB]  }
0x39: {  	_ = 	snop;
	(pc) =	sbr.ind lr, $3  }
0x3a: {  	_ = 	snop  }
0x3b: {  	_ = 	snop  }
0x3c: {  	p2 =	seq.s32 s10, $0x1;
	s10 =	sld [smem:$0x3FBA]  }
0x3d: {  	_ =	shalt  }
0x3e: {  	_ =	shalt  }
0x3f: {  	_ =	shalt  }
0x40: {  	_ =	shalt  }
0x41: {  	_ =	shalt  }
0x42: {  	_ =	shalt  }
0x43: {  	_ =	shalt  }
0x44: {  	_ =	shalt  }
0x45: {  	_ =	shalt  }
0x46: {  	_ =	shalt  }
0x47: {  	_ =	shalt  }
0x48: {  	_ =	shalt  }
0x49: {  	_ =	shalt  }
0x4a: {  	_ =	shalt  }
0x4b: {  	_ =	shalt  }
0x4c: {  	_ =	shalt  }
0x4d: {  	_ =	shalt  }
0x4e: {  	_ =	shalt  }
0x4f: {  	_ =	shalt  }
0x50: {  	_ =	shalt  }
0x51: {  	_ =	shalt  }
0x52: {  	_ =	shalt  }
0x53: {  	_ =	shalt  }
0x54: {  	_ =	shalt  }
0x55: {  	_ =	shalt  }
0x56: {  	_ =	shalt  }
0x57: {  	_ =	shalt  }
0x58: {  	_ =	shalt  }
0x59: {  	_ =	shalt  }
0x5a: {  	_ =	shalt  }
0x5b: {  	_ =	shalt  }
0x5c: {  	_ =	shalt  }
0x5d: {  	_ =	shalt  }
0x5e: {  	_ =	shalt  }
0x5f: {  	_ =	shalt  }
0x60: {  	_ =	shalt  }
0x61: {  	_ =	shalt  }
0x62: {  	_ =	shalt  }
0x63: {  	_ =	shalt  }
0x64: {  	_ =	shalt  }
0x65: {  	_ =	shalt  }
0x66: {  	_ =	shalt  }
0x67: {  	_ =	shalt  }
0x68: {  	_ =	shalt  }
0x69: {  	_ =	shalt  }
0x6a: {  	_ =	shalt  }
0x6b: {  	_ =	shalt  }
0x6c: {  	_ =	shalt  }
0x6d: {  	_ =	shalt  }
0x6e: {  	_ =	shalt  }
0x6f: {  	_ =	shalt  }
0x70: {  	_ =	shalt  }
0x71: {  	_ =	shalt  }
0x72: {  	_ =	shalt  }
0x73: {  	_ =	shalt  }
0x74: {  	_ =	shalt  }
0x75: {  	_ =	shalt  }
0x76: {  	_ =	shalt  }
0x77: {  	_ =	shalt  }
0x78: {  	_ =	shalt  }
0x79: {  	_ =	shalt  }
0x7a: {  	_ =	shalt  }
0x7b: {  	_ =	shalt  }
0x7c: {  	_ =	shalt  }
0x7d: {  	_ =	shalt  }
0x7e: {  	_ =	shalt  }
0x7f: {  	_ =	shalt  }
0x80: {  	_ =	shalt  }
0x81: {  	_ =	shalt  }
0x82: {  	_ =	shalt  }
0x83: {  	_ =	shalt  }
0x84: {  	_ =	shalt  }
0x85: {  	_ =	shalt  }
0x86: {  	_ =	shalt  }
0x87: {  	_ =	shalt  }
.Lfunc_end0:
.L_simem_size_0:
called_computation_lowered:
.L_overlay_start_0:
0x88: {  	s2 =	sld [smem:$0x3FD9]  }
0x89: {  	s3 =	sld [smem:$0x3FFE];
	_ =	sdelay $0x1  }
0x8a: {  	s1 =	srdreg.scid  }
0x8b: {  	s0 =	sand.u32 $0x1, s1  }
0x8c: {  	s17 =	sshll.u32 s0, $0xA;
	s2 =	sadd.s32 s3, s2  }
0x8d: {  	s2 =	sadd.s32 s2, s17  }
0x8e: {  	[smem:$0x3FC6] =	sst s2  }
0x8f: {  	_ = 	snop  }
0x90: {  	s2 =	sld [smem:$0x3FC8]  }
0x91: {  	s18 =	sld [smem:$0x3FD0];
	(tm) =	ssettm $0x1  }
0x92: {  	s4 =	sld [smem:$0x3FFB];
	_ =	sdelay $0x3  }
0x93: {  	_ =	strace s4  }
0x94: {  	s4 =	sld [smem:$0x3FFC];
	_ =	sdelay $0x3  }
0x95: {  	_ =	strace s4  }
0x96: {  	s4 =	sld [smem:$0x3FFD];
	_ =	sdelay $0x3  }
0x97: {  	_ =	strace s4  }
0x98: {  	_ =	strace $0x8FFFFFFF  }
0x99: {  	s19 =	sld [smem:$0x3FDB];
	_ =	sdelay $0x1  }
0x9a: {  	s5 =	simm.s32 $_scs_section_size  }
0x9b: {  	s6 =	simm.s32 $_size__tile_overlayer_lowered;
	s7 =	simm.s32 $_tile_overlayer_lowered  }
0x9c: {  	s22 =	simm.s32 $0x1BFF;
	s21 =	sshll.u32 s7, $0x1;
	s4 =	sadd.s32 s5, s19  }
0x9d: {  	s8 =	simm.s32 $0x0;
	s20 =	sshll.u32 s6, $0x1;
	s6 =	sadd.s32 s21, s4  }
0x9e: {  	[timem:s8], [sflag:s22] =	dma.local [hbm:s6], s20  }
0x9f: {  	_ =	swait.ge [sflag:s22], s20  }
0xa0: {  	s5 =	ssub.s32 $0x0, s20;
	[sflag:s22] =	ssyncset.done $0x0  }
0xa1: {  	[sflag:s22] =	ssyncadd.s32 s5;
	_ =	sdelay $0x1  }
0xa2: {  	s23 =	simm.s32 $0x1B8B  }
0xa3: {  	_ =	swait.ge [sflag:s23], $0x1  }
0xa4: {  	[sflag:s23] =	ssyncset.done $0x0  }
0xa5: {  	s25 =	simm.s32 $0x1B8E;
	s24 =	sld [smem:$0x3FFE];
	[sflag:s23] =	ssyncadd.s32 $0xFFFFFFFF  }
0xa6: {  	s26 =	simm.s32 $execute0_lowered;
	[smem:$0x3FD2] =	sst s25  }
0xa7: {  	s6 =	sshll.u32 s26, $0x1;
	_ =	strace $0x80000046;
	[dreg:$0x1] =	wrdreg $0xFFFFFFFF  }
0xa8: {  	s28 =	simm.s32 $_size_execute0_lowered;
	s4 =	sadd.s32 s4, s6;
	[dreg:$0x0] =	wrdreg $0x0  }
0xa9: {  	s6 =	sshll.u32 s28, $0x1;
	[dreg:$0x2] =	wrdreg s4  }
0xaa: {  	[dreg:$0x3] =	wrdreg s6  }
0xab: {  	[dreg:$0x4] =	wrdreg $0xC0  }
0xac: {  	_ =	task [dreg:s8], $0x5FFFF  }
0xad: {  	[dreg:$0x1] =	wrdreg $0xFFFFFFFF  }
0xae: {  	[dreg:$0x0] =	wrdreg $0x60  }
0xaf: {  	[dreg:$0x2] =	wrdreg s2  }
0xb0: {  	[dreg:$0x3] =	wrdreg s24  }
0xb1: {  	[dreg:$0x4] =	wrdreg s18  }
0xb2: {  	[dreg:$0x5] =	wrdreg $0x9  }
0xb3: {  	_ =	task.clear_ibuf [dreg:s8], $0x6FFFF;
	_ =	strace $0x90000046  }
0xb4: {  	s29 =	simm.s32 $0x9;
	_ =	strace $0x80000048  }
0xb5: {  	_ =	swait.ge [sflag:s29], $0x1  }
0xb6: {  	[sflag:s29] =	ssyncadd.s32 $0xFFFFFFFF  }
0xb7: {  	_ =	strace $0x90000048  }
0xb8: {  	_ =	sfence  }
0xb9: {  	s30 =	sld [smem:$0x0];
	_ =	sdelay $0x2  }
0xba: {  	s31 =	sshll.u32 s1, $0xD;
	s1 =	sshrl.u32 s1, $0x2  }
0xbb: {  	s3 =	sand.u32 $0x4000, s31;
	s1 =	sadd.s32 s1, s30  }
0xbc: {  	s0 =	sor.u32 s3, s0;
	s1 =	sshll.u32 s1, $0x11  }
0xbd: {  	s0 =	sor.u32 s1, s0  }
0xbe: {  	s0 =	sadd.s32 $0x8F2B, s0  }
0xbf: {  	[sflag:s0] =	ssyncadd.remote.s32 $0x1  }
0xc0: {  	_ =	sfence.sel $0xFFFF  }
0xc1: {  	[dreg:$0x0] =	wrdreg $0xFFFFFFFF;
	(pc) =	sbr.abs _section_cstart, $3  }
0xc2: {  	[dreg:$0x1] =	wrdreg $0xFFFFFFFF  }
0xc3: {  	_ =	task.clear_ibuf [dreg:s8], $0x2FFFF;
	_ =	strace $0x9FFFFFFF  }
0xc4: {  	(tm) =	ssettm $0x7FFFFFFF  }
0xc5: {  	_ =	shalt  }
tec
execute0_lowered:
.L_overlay_start_1:
0x0: {  	(tag) =	ssettag $0x1  }
0x1: {  	s1 =	rddreg [dreg:$0x0]  }
0x2: {  	s0 =	rddreg [dreg:$0x1];
	s2 =	srdreg.scid  }
0x3: {  	s6 =	stileid.u32;
	s4 =	rddreg [dreg:$0x2];
	s3 =	simm.s32 $0x0  }
0x4: {  	s8 =	simm.s32 $0x40;
	s18 =	simm.s32 $0x10400;
	s19 =	simm.s32 $0x1  }
0x5: {  	s20 =	simm.s32 $0x12400;
	s21 =	simm.s32 $0x2;
	s22 =	simm.s32 $0x14400  }
0x6: {  	s23 =	simm.s32 $0x3;
	s28 =	simm.s32 $0x5;
	s29 =	simm.s32 $0xB  }
0x7: {  	s30 =	simm.s32 $0x6;
	s31 =	simm.s32 $0xC;
	s11 =	simm.s32 $0x8  }
0x8: {  	s13 =	simm.s32 $0xE;
	s15 =	simm.s32 $0x9;
	s17 =	simm.s32 $0xF  }
0x9: {  	s2 =	sand.u32 $0x1, s2;
	s5 =	sshll.u32 s6, $0x1;
	s6 =	smul.u32 $0xC8000, s6  }
0xa: {  	s5 =	sor.u32 s2, s5;
	s7 =	ssub.s32 $0x2, s2;
	s2 =	smul.u32 $0x64000, s2  }
0xb: {  	s9 =	simm.s32 $0x0;
	[smem:$0x7FF] =	sst s3;
	s5 =	smul.u32 $0x6400, s5  }
0xc: {  	_ =	strace $0x80000047;
	s24 =	sshrl.u32 s7, $0x1;
	s4 =	sadd.s32 s6, s4  }
0xd: {  	s25 =	sadd.s32 s2, s4;
	s2 =	simm.s32 $0x7;
	s5 =	sshrl.u32 s5, $0x3  }
.Ltmp0:
0xe: {  	s4 =	simm.s32 $0xA;
	s0 =	sadd.s32 s5, s0;
	(pc) =	sbr.rel .LBB2_1-.Ltmp0, $4  }
0xf: {  	s5 =	ssub.s32 s7, s24;
	s24 =	simm.s32 $0x16400;
	s0 =	sadd.s32 $0x400, s0  }
0x10: {  	s26 =	smax.u32 s5, $0x1;
	s5 =	simm.s32 $0x10;
	[dreg:$0x4] =	wrdreg s0  }
0x11: {  	[dreg:$0x5] =	wrdreg s26;
	s0 =	sadd.s32 $0x2400, s25;
	s25 =	simm.s32 $0x4  }
0x12: {  	s26 =	simm.s32 $0x18400;
	[dreg:$0x6] =	wrdreg s0;
	s0 =	simm.s32 $0xD  }
.LBB2_4:
0x13: {  	s6 =	simm.s32 $0x11  }
0x14: {  	_ =	swait.ge [sflag:s6], $0x2000  }
0x15: {  	[sflag:s6] =	ssyncset.done $0x0  }
0x16: {  	s12 =	simm.s32 $0x12;
	[sflag:s6] =	ssyncadd.s32 $0xFFFFE000  }
0x17: {  	_ =	swait.ge [sflag:s12], $0x2000  }
0x18: {  	[sflag:s12] =	ssyncset.done $0x0  }
0x19: {  	s14 =	simm.s32 $0x13;
	[sflag:s12] =	ssyncadd.s32 $0xFFFFE000  }
0x1a: {  	_ =	swait.ge [sflag:s14], $0x2000  }
0x1b: {  	[sflag:s14] =	ssyncset.done $0x0  }
0x1c: {  	s7 =	simm.s32 $0x14;
	[sflag:s14] =	ssyncadd.s32 $0xFFFFE000  }
0x1d: {  	_ =	swait.ge [sflag:s7], $0x2000  }
0x1e: {  	s9 =	rddreg [dreg:$0x7]  }
0x1f: {  	s16 =	rddreg [dreg:$0x5];
	s9 =	sadd.s32 $0x1, s9  }
0x20: {  	p0 =	sne.s32 s9, s16  }
.Ltmp1:
0x21: {  	_ = 	snop;
	(pc) =	sbr.rel @!p0 .LBB2_5-.Ltmp1, $3  }
0x22: {  	_ =	sdelay $0x1  }
0x23: {  	[sflag:s7] =	ssyncset.done $0x0  }
0x24: {  	[sflag:s7] =	ssyncadd.s32 $0xFFFFE000  }
.LBB2_1:
0x25: {  	[dreg:$0x7] =	wrdreg s9  }
0x26: {  	s6 =	rddreg [dreg:$0x4];
	s10 =	simm.s32 $0x15  }
0x27: {  	[tilespmem:s3], [sflag:$0x15] =	stream.linear.gather [hbm4b:s6+s3], $0x6400, $0x38;
	[tilespmem:$0x1A400] =	vst v63  }
0x28: {  	_ =	swait.ge [sflag:s10], $0x6400  }
0x29: {  	[sflag:s10] =	ssyncset.done $0x0  }
0x2a: {  	s12 =	simm.s32 $0x6400;
	[sflag:s10] =	ssyncadd.s32 $0xFFFF9C00  }
0x2b: {  	[tilespmem:s12], [sflag:$0x1] =	stream.indirect.gather [hbm4b:s1+s8], $0x80, s3, s8, $0xb8;
	[tilespmem:$0x1A400] =	vst v63  }
0x2c: {  	s14 =	simm.s32 $0x8400  }
0x2d: {  	[tilespmem:s14], [sflag:$0x2] =	stream.indirect.gather [hbm4b:s1+s8], $0x80, s8, s8, $0xb8;
	[tilespmem:$0x1A400] =	vst v63  }
0x2e: {  	s16 =	simm.s32 $0x80;
	s7 =	simm.s32 $0xA400  }
0x2f: {  	[tilespmem:s7], [sflag:$0x3] =	stream.indirect.gather [hbm4b:s1+s8], $0x80, s16, s8, $0xb8;
	[tilespmem:$0x1A400] =	vst v63  }
0x30: {  	s9 =	simm.s32 $0xC0;
	s10 =	simm.s32 $0xC400  }
0x31: {  	[tilespmem:s10], [sflag:$0x4] =	stream.indirect.gather [hbm4b:s1+s8], $0x80, s9, s8, $0xb8;
	[tilespmem:$0x1A400] =	vst v63  }
0x32: {  	s12 =	simm.s32 $0x100;
	s14 =	simm.s32 $0xE400  }
0x33: {  	[tilespmem:s14], [sflag:$0x5] =	stream.indirect.gather [hbm4b:s1+s8], $0x80, s12, s8, $0xb8;
	[tilespmem:$0x1A400] =	vst v63  }
0x34: {  	s6 =	simm.s32 $0x0;
	s16 =	simm.s32 $0x140;
	s7 =	rddreg [dreg:$0x6]  }
0x35: {  	[tilespmem:s18], [sflag:$0x6] =	stream.indirect.gather [hbm4b:s1+s8], $0x80, s16, s8, $0xb8;
	[tilespmem:$0x1A400] =	vst v63  }
.LBB2_2:
0x36: {  	_ =	swait.ge [sflag:s19], $0x2000  }
0x37: {  	s9 =	sadd.s32 $0xFFFFDC00, s7;
	[sflag:s19] =	ssyncset.done $0x0  }
0x38: {  	s10 =	simm.s32 $0x6400;
	p0 =	seq.s32 s6, $0x0;
	[sflag:s19] =	ssyncadd.s32 $0xFFFFE000  }
0x39: {  	[hbm4b:s9+s3] =	stream.linear.scatter [tilespmem:s10], [sflag:$0xB], $0x2000, $0x38;
	[tilespmem:$0x1A400] =	vst v63  }
0x3a: {  	s10 =	simm.s32 @!p0 $0x11  }
0x3b: {  	_ =	swait.ge @!p0 [sflag:s10], $0x2000  }
0x3c: {  	s9 =	sshra.s32 s6, $0x2;
	[sflag:s10] =	ssyncset.done @!p0 $0x0  }
0x3d: {  	s12 =	sadd.s32 $0x180, s9;
	[sflag:s10] =	ssyncadd.s32 @!p0 $0xFFFFE000  }
0x3e: {  	[tilespmem:s20], [sflag:$0x7] =	stream.indirect.gather [hbm4b:s1+s8], $0x80, s12, s8, $0xb8;
	[tilespmem:$0x1A400] =	vst v63  }
0x3f: {  	_ =	swait.ge [sflag:s21], $0x2000  }
0x40: {  	s14 =	sadd.s32 $0xFFFFE000, s7;
	[sflag:s21] =	ssyncset.done $0x0  }
0x41: {  	s10 =	simm.s32 @!p0 $0x12;
	s12 =	simm.s32 $0x8400;
	[sflag:s21] =	ssyncadd.s32 $0xFFFFE000  }
0x42: {  	[hbm4b:s14+s3] =	stream.linear.scatter [tilespmem:s12], [sflag:$0xC], $0x2000, $0x38;
	[tilespmem:$0x1A400] =	vst v63  }
0x43: {  	_ =	swait.ge @!p0 [sflag:s10], $0x2000  }
0x44: {  	[sflag:s10] =	ssyncset.done @!p0 $0x0  }
0x45: {  	s16 =	sadd.s32 $0x1C0, s9;
	[sflag:s10] =	ssyncadd.s32 @!p0 $0xFFFFE000  }
0x46: {  	[tilespmem:s22], [sflag:$0x8] =	stream.indirect.gather [hbm4b:s1+s8], $0x80, s16, s8, $0xb8;
	[tilespmem:$0x1A400] =	vst v63  }
0x47: {  	_ =	swait.ge [sflag:s23], $0x2000  }
0x48: {  	s12 =	sadd.s32 $0xFFFFE400, s7;
	[sflag:s23] =	ssyncset.done $0x0  }
0x49: {  	s14 =	simm.s32 $0xA400;
	s10 =	simm.s32 @!p0 $0x13;
	[sflag:s23] =	ssyncadd.s32 $0xFFFFE000  }
0x4a: {  	[hbm4b:s12+s3] =	stream.linear.scatter [tilespmem:s14], [sflag:$0xD], $0x2000, $0x38;
	[tilespmem:$0x1A400] =	vst v63  }
0x4b: {  	_ =	swait.ge @!p0 [sflag:s10], $0x2000  }
0x4c: {  	[sflag:s10] =	ssyncset.done @!p0 $0x0  }
0x4d: {  	s16 =	sadd.s32 $0x200, s9;
	[sflag:s10] =	ssyncadd.s32 @!p0 $0xFFFFE000  }
0x4e: {  	[tilespmem:s24], [sflag:$0x9] =	stream.indirect.gather [hbm4b:s1+s8], $0x80, s16, s8, $0xb8;
	[tilespmem:$0x1A400] =	vst v63  }
0x4f: {  	_ =	swait.ge [sflag:s25], $0x2000  }
0x50: {  	s12 =	sadd.s32 $0xFFFFE800, s7;
	[sflag:s25] =	ssyncset.done $0x0  }
0x51: {  	s14 =	simm.s32 $0xC400;
	s10 =	simm.s32 @!p0 $0x14;
	[sflag:s25] =	ssyncadd.s32 $0xFFFFE000  }
0x52: {  	[hbm4b:s12+s3] =	stream.linear.scatter [tilespmem:s14], [sflag:$0xE], $0x2000, $0x38;
	[tilespmem:$0x1A400] =	vst v63  }
0x53: {  	_ =	swait.ge @!p0 [sflag:s10], $0x2000  }
0x54: {  	[sflag:s10] =	ssyncset.done @!p0 $0x0  }
0x55: {  	s16 =	sadd.s32 $0x240, s9;
	[sflag:s10] =	ssyncadd.s32 @!p0 $0xFFFFE000  }
0x56: {  	[tilespmem:s26], [sflag:$0xA] =	stream.indirect.gather [hbm4b:s1+s8], $0x80, s16, s8, $0xb8;
	[tilespmem:$0x1A400] =	vst v63  }
0x57: {  	_ =	swait.ge [sflag:s28], $0x2000  }
0x58: {  	[sflag:s28] =	ssyncset.done $0x0  }
0x59: {  	s12 =	sadd.s32 $0xFFFFEC00, s7;
	s14 =	simm.s32 $0xE400;
	[sflag:s28] =	ssyncadd.s32 $0xFFFFE000  }
0x5a: {  	[hbm4b:s12+s3] =	stream.linear.scatter [tilespmem:s14], [sflag:$0xF], $0x2000, $0x38;
	[tilespmem:$0x1A400] =	vst v63  }
0x5b: {  	p0 =	seq.s32 s6, $0x18600;
	_ =	swait.ge [sflag:s29], $0x2000  }
0x5c: {  	s10 =	sshra.s32 @!p0 s6, $0x2;
	s16 =	simm.s32 @!p0 $0x6400;
	[sflag:s29] =	ssyncset.done $0x0  }
0x5d: {  	s12 =	sadd.s32 @!p0 $0x280, s10;
	s14 =	simm.s32 @!p0 $0x40;
	[sflag:s29] =	ssyncadd.s32 $0xFFFFE000  }
0x5e: {  	[tilespmem:s16], [sflag:$0x1] =	stream.indirect.gather @!p0 [hbm4b:s1+s14], $0x80, s12, s14, $0xb8;
	[tilespmem:$0x1A400] =	vst v63  }
0x5f: {  	_ =	swait.ge [sflag:s30], $0x2000  }
0x60: {  	[sflag:s30] =	ssyncset.done $0x0  }
0x61: {  	s16 =	sadd.s32 $0xFFFFF000, s7;
	[sflag:s30] =	ssyncadd.s32 $0xFFFFE000  }
0x62: {  	[hbm4b:s16+s3] =	stream.linear.scatter [tilespmem:s18], [sflag:$0x10], $0x2000, $0x38;
	[tilespmem:$0x1A400] =	vst v63  }
0x63: {  	_ =	swait.ge [sflag:s31], $0x2000  }
0x64: {  	[sflag:s31] =	ssyncset.done $0x0  }
0x65: {  	s12 =	sadd.s32 @!p0 $0x2C0, s10;
	s16 =	simm.s32 @!p0 $0x8400;
	[sflag:s31] =	ssyncadd.s32 $0xFFFFE000  }
0x66: {  	[tilespmem:s16], [sflag:$0x2] =	stream.indirect.gather @!p0 [hbm4b:s1+s14], $0x80, s12, s14, $0xb8;
	[tilespmem:$0x1A400] =	vst v63  }
0x67: {  	_ =	swait.ge [sflag:s2], $0x2000  }
0x68: {  	[sflag:s2] =	ssyncset.done $0x0  }
0x69: {  	s16 =	sadd.s32 $0xFFFFF400, s7;
	[sflag:s2] =	ssyncadd.s32 $0xFFFFE000  }
0x6a: {  	[hbm4b:s16+s3] =	stream.linear.scatter [tilespmem:s20], [sflag:$0x11], $0x2000, $0x38;
	[tilespmem:$0x1A400] =	vst v63  }
0x6b: {  	_ =	swait.ge [sflag:s0], $0x2000  }
0x6c: {  	[sflag:s0] =	ssyncset.done $0x0  }
0x6d: {  	s12 =	sadd.s32 @!p0 $0x300, s10;
	s16 =	simm.s32 @!p0 $0xA400;
	[sflag:s0] =	ssyncadd.s32 $0xFFFFE000  }
0x6e: {  	[tilespmem:s16], [sflag:$0x3] =	stream.indirect.gather @!p0 [hbm4b:s1+s14], $0x80, s12, s14, $0xb8;
	[tilespmem:$0x1A400] =	vst v63  }
0x6f: {  	_ =	swait.ge [sflag:s11], $0x2000  }
0x70: {  	[sflag:s11] =	ssyncset.done $0x0  }
0x71: {  	s16 =	sadd.s32 $0xFFFFF800, s7;
	[sflag:s11] =	ssyncadd.s32 $0xFFFFE000  }
0x72: {  	[hbm4b:s16+s3] =	stream.linear.scatter [tilespmem:s22], [sflag:$0x12], $0x2000, $0x38;
	[tilespmem:$0x1A400] =	vst v63  }
0x73: {  	_ =	swait.ge [sflag:s13], $0x2000  }
0x74: {  	[sflag:s13] =	ssyncset.done $0x0  }
0x75: {  	s12 =	sadd.s32 @!p0 $0x340, s10;
	s16 =	simm.s32 @!p0 $0xC400;
	[sflag:s13] =	ssyncadd.s32 $0xFFFFE000  }
0x76: {  	[tilespmem:s16], [sflag:$0x4] =	stream.indirect.gather @!p0 [hbm4b:s1+s14], $0x80, s12, s14, $0xb8;
	[tilespmem:$0x1A400] =	vst v63  }
0x77: {  	_ =	swait.ge [sflag:s15], $0x2000  }
0x78: {  	[sflag:s15] =	ssyncset.done $0x0  }
0x79: {  	s16 =	sadd.s32 $0xFFFFFC00, s7;
	[sflag:s15] =	ssyncadd.s32 $0xFFFFE000  }
0x7a: {  	[hbm4b:s16+s3] =	stream.linear.scatter [tilespmem:s24], [sflag:$0x13], $0x2000, $0x38;
	[tilespmem:$0x1A400] =	vst v63  }
0x7b: {  	_ =	swait.ge [sflag:s17], $0x2000  }
0x7c: {  	[sflag:s17] =	ssyncset.done $0x0  }
0x7d: {  	s10 =	sadd.s32 @!p0 $0x380, s10;
	s12 =	simm.s32 @!p0 $0xE400;
	[sflag:s17] =	ssyncadd.s32 $0xFFFFE000  }
0x7e: {  	[tilespmem:s12], [sflag:$0x5] =	stream.indirect.gather @!p0 [hbm4b:s1+s14], $0x80, s10, s14, $0xb8;
	[tilespmem:$0x1A400] =	vst v63  }
0x7f: {  	_ =	swait.ge [sflag:s4], $0x2000  }
0x80: {  	[sflag:s4] =	ssyncset.done $0x0  }
.Ltmp2:
0x81: {  	[sflag:s4] =	ssyncadd.s32 $0xFFFFE000;
	(pc) =	sbr.rel @p0 .LBB2_4-.Ltmp2, $4  }
0x82: {  	[hbm4b:s7+s3] =	stream.linear.scatter [tilespmem:s26], [sflag:$0x14], $0x2000, $0x38;
	[tilespmem:$0x1A400] =	vst v63  }
0x83: {  	_ =	swait.ge [sflag:s5], $0x2000  }
0x84: {  	[sflag:s5] =	ssyncset.done $0x0  }
0x85: {  	[sflag:s5] =	ssyncadd.s32 $0xFFFFE000  }
.Ltmp3:
0x86: {  	(pc) =	sbr.rel .LBB2_2-.Ltmp3, $3  }
0x87: {  	_ =	sdelay $0x1  }
0x88: {  	s9 =	sadd.s32 $0x3C0, s9;
	s6 =	sadd.s32 $0xA00, s6;
	s7 =	sadd.s32 $0x2800, s7  }
0x89: {  	[tilespmem:s18], [sflag:$0x6] =	stream.indirect.gather [hbm4b:s1+s8], $0x80, s9, s8, $0xb8;
	[tilespmem:$0x1A400] =	vst v63  }
.LBB2_5:
0x8a: {  	_ =	sfence.sel $0x180000  }
0x8b: {  	[bflag:$0x0] =	sbarrier.arrive $0xFFFF  }
0x8c: {  	_ =	strace $0x90000047  }
0x8d: {  	s0 =	stileid.u32;
	[bflag:$0x2] =	sbarrier.arrive $0xFFFF  }
0x8e: {  	p0 =	sne.s32 s0, $0x0;
	s0 =	rddreg [dreg:$0x3]  }
0x8f: {  	s0 =	sadd.s32 @!p0 $0x100000, s0  }
0x90: {  	[sflag:s0] =	ssyncadd.tile.s32 @!p0 $0x1;
	_ =	shalt  }
.Lfunc_end2:
_tile_overlayer_lowered:
.L_overlay_start_2:
0x91: {  	(tag) =	ssettag $0x2  }
0x92: {  	s0 =	rddreg [dreg:$0x0];
	s2 =	stileid.u32  }
0x93: {  	s1 =	rddreg [dreg:$0x1];
	p0 =	sne.s32 s2, $0x0  }
0x94: {  	s3 =	rddreg [dreg:$0x2];
	[bflag:$0x3] =	sbarrier.arrive $0xFFFF;
	s2 =	simm.s32 @!p0 $0x1C15  }
0x95: {  	[timem:s3], [sflag:s2] =	dma.local @!p0 [hbm:s0], s1  }
0x96: {  	s0 =	simm.s32 @!p0 $0x15  }
0x97: {  	_ =	swait.ge @!p0 [sflag:s0], s1  }
0x98: {  	s1 =	ssub.s32 @!p0 $0x0, s1;
	[sflag:s0] =	ssyncset.done @!p0 $0x0  }
0x99: {  	[sflag:s0] =	ssyncadd.s32 @!p0 s1  }
0x9a: {  	[bflag:$0x3] =	sbarrier.arrive $0xFFFF  }
0x9b: {  	_ =	shalt  }

</sc_bundles>
